<compile_context>
chip_gen: v7x
topology: tpu7x:2x2x1
jax: 0.10.2.dev20260603
libtpu: 0.0.44.dev20260713+nightly
codegen_flags: <defaults>
</compile_context>

<pallas_src>
import functools

import jax
import jax.numpy as jnp
from jax import lax
from jax.experimental import pallas as pl
from jax.experimental.pallas import tpu as pltpu
from jax.experimental.pallas import tpu_sc as plsc

N = 10000
E = 320000
D = 128
H = 128
OUT = 10
G = 64

NC = 2
NS = 16
NW = NC * NS
CH = 128
K = 79
EPAD = NW * K * CH
NPAD = 10240
ROWS = NPAD // NS

_sc_mesh = plsc.VectorSubcoreMesh(core_axis_name="c", subcore_axis_name="s")



def _deg_body(dst_hbm, zeros_hbm, ones_hbm, d0_hbm, d1_hbm, idx_v, ones_v, acc, sem):
    c = lax.axis_index("c")
    s = lax.axis_index("s")
    wid = c * NS + s
    rb = s * ROWS
    pltpu.sync_copy(zeros_hbm.at[pl.ds(rb, ROWS)], acc.at[pl.ds(rb, ROWS)])
    pltpu.sync_copy(ones_hbm, ones_v)
    pltpu.sync_copy(dst_hbm.at[wid], idx_v)
    plsc.subcore_barrier()

    def body(j, carry):
        pltpu.sync_copy(ones_v, acc.at[idx_v.at[j]], add=True)
        return carry

    lax.fori_loop(0, K, body, 0)
    plsc.subcore_barrier()

    @pl.when(c == 0)
    def _():
        pltpu.sync_copy(acc.at[pl.ds(rb, ROWS)], d0_hbm.at[pl.ds(rb, ROWS)])

    @pl.when(c == 1)
    def _():
        pltpu.sync_copy(acc.at[pl.ds(rb, ROWS)], d1_hbm.at[pl.ds(rb, ROWS)])


_deg_call = functools.partial(
    pl.kernel,
    out_type=[
        jax.ShapeDtypeStruct((NPAD,), jnp.float32),
        jax.ShapeDtypeStruct((NPAD,), jnp.float32),
    ],
    mesh=_sc_mesh,
    scratch_types=[
        pltpu.VMEM((K, CH), jnp.int32),
        pltpu.VMEM((CH,), jnp.float32),
        pltpu.VMEM_SHARED((NPAD,), jnp.float32),
        pltpu.SemaphoreType.DMA,
    ],
)(_deg_body)


def _agg_body(src_hbm, dst_hbm, hs_hbm, p0_hbm, p1_hbm,
              sidx, didx, rows, acc, sem):
    c = lax.axis_index("c")
    s = lax.axis_index("s")
    wid = c * NS + s
    rb = s * ROWS
    pltpu.sync_copy(hs_hbm.at[pl.ds(rb, ROWS)], acc.at[pl.ds(rb, ROWS)])
    pltpu.sync_copy(src_hbm.at[wid], sidx)
    pltpu.sync_copy(dst_hbm.at[wid], didx)
    plsc.subcore_barrier()

    def body(j, carry):
        pltpu.async_copy(hs_hbm.at[sidx.at[j]], rows, sem).wait()
        pltpu.sync_copy(rows, acc.at[didx.at[j]], add=True)
        return carry

    lax.fori_loop(0, K, body, 0)
    plsc.subcore_barrier()

    @pl.when(c == 0)
    def _():
        pltpu.sync_copy(acc.at[pl.ds(rb, ROWS)], p0_hbm.at[pl.ds(rb, ROWS)])

    @pl.when(c == 1)
    def _():
        pltpu.sync_copy(acc.at[pl.ds(rb, ROWS)], p1_hbm.at[pl.ds(rb, ROWS)])


_agg_call = functools.partial(
    pl.kernel,
    out_type=[
        jax.ShapeDtypeStruct((NPAD, H), jnp.float32),
        jax.ShapeDtypeStruct((NPAD, H), jnp.float32),
    ],
    mesh=_sc_mesh,
    scratch_types=[
        pltpu.VMEM((K, CH), jnp.int32),
        pltpu.VMEM((K, CH), jnp.int32),
        pltpu.VMEM((CH, H), jnp.float32),
        pltpu.VMEM_SHARED((NPAD, H), jnp.float32),
        pltpu.SemaphoreType.DMA,
    ],
)(_agg_body)



def _tc_first_body(d0_ref, d1_ref, x_ref, w1_ref, dis_ref, hs_ref):
    deg = d0_ref[...] + d1_ref[...] + 1.0
    dis = lax.rsqrt(deg)
    dis_ref[...] = dis
    hs_ref[...] = jnp.dot(x_ref[...], w1_ref[...],
                          preferred_element_type=jnp.float32) * dis


_tc_first = pl.pallas_call(
    _tc_first_body,
    out_shape=[
        jax.ShapeDtypeStruct((NPAD, 1), jnp.float32),
        jax.ShapeDtypeStruct((NPAD, H), jnp.float32),
    ],
)


def _tc_mid_body(p0_ref, p1_ref, hs_ref, dis_ref, b_ref, w_ref, hsn_ref):
    dis = dis_ref[...]
    agg = p0_ref[...] + p1_ref[...] - hs_ref[...]
    h = jnp.maximum(agg * dis + b_ref[...], 0.0)
    hsn_ref[...] = jnp.dot(h, w_ref[...],
                           preferred_element_type=jnp.float32) * dis


_tc_mid = pl.pallas_call(
    _tc_mid_body,
    out_shape=jax.ShapeDtypeStruct((NPAD, H), jnp.float32),
)


def _tc_final_body(p0_ref, p1_ref, hs_ref, dis_ref, b_ref,
                   wg1_ref, bg1_ref, wg2_ref, bg2_ref,
                   wl1_ref, bl1_ref, wl2_ref, bl2_ref,
                   batch_ref, logits_ref):
    agg = p0_ref[...] + p1_ref[...] - hs_ref[...]
    h_all = jnp.maximum(agg * dis_ref[...] + b_ref[...], 0.0)
    h = h_all[:N, :]
    u = jnp.maximum(jnp.dot(h, wg1_ref[...],
                            preferred_element_type=jnp.float32) + bg1_ref[...],
                    0.0)
    gate = jnp.dot(u, wg2_ref[...],
                   preferred_element_type=jnp.float32) + bg2_ref[...]
    gid = lax.broadcasted_iota(jnp.int32, (N, G), 1)
    msk = gid == batch_ref[...]
    mskf = msk.astype(jnp.float32)
    neg = jnp.full((N, G), -jnp.inf, jnp.float32)
    m = jnp.max(jnp.where(msk, gate, neg), axis=0, keepdims=True)
    m = jnp.where(jnp.isfinite(m), m, 0.0)
    msel = jnp.sum(mskf * m, axis=1, keepdims=True)
    e = jnp.exp(gate - msel)
    denom = jnp.sum(mskf * e, axis=0, keepdims=True)
    densel = jnp.sum(mskf * denom, axis=1, keepdims=True)
    alpha = e / jnp.maximum(densel, 1e-16)
    pooled = lax.dot_general(mskf * alpha, h,
                             dimension_numbers=(((0,), (0,)), ((), ())),
                             preferred_element_type=jnp.float32)
    z = jnp.maximum(jnp.dot(pooled, wl1_ref[...],
                            preferred_element_type=jnp.float32) + bl1_ref[...],
                    0.0)
    logits_ref[...] = jnp.dot(z, wl2_ref[...],
                              preferred_element_type=jnp.float32) + bl2_ref[...]


_tc_final = pl.pallas_call(
    _tc_final_body,
    out_shape=jax.ShapeDtypeStruct((G, OUT), jnp.float32),
)



@jax.jit
def kernel(x, edge_index, batch, W1, b1, W2, b2, W3, b3,
           Wg1, bg1, Wg2, bg2, Wl1, bl1, Wl2, bl2):
    src = edge_index[0]
    dst = edge_index[1]
    pad = EPAD - E
    src_r = jnp.concatenate([src, jnp.zeros((pad,), jnp.int32)]
                            ).reshape(NW, K, CH)
    dst_r = jnp.concatenate([dst, jnp.full((pad,), N, jnp.int32)]
                            ).reshape(NW, K, CH)
    x_p = jnp.pad(x, ((0, NPAD - N), (0, 0)))
    zeros_n = jnp.zeros((NPAD,), jnp.float32)
    ones_ch = jnp.ones((CH,), jnp.float32)
    batch_col = batch.reshape(N, 1)

    d0, d1 = _deg_call(dst_r, zeros_n, ones_ch)
    dis, hs = _tc_first(d0.reshape(NPAD, 1), d1.reshape(NPAD, 1), x_p, W1)

    p0, p1 = _agg_call(src_r, dst_r, hs)
    hs2 = _tc_mid(p0, p1, hs, dis, b1.reshape(1, H), W2)
    p0, p1 = _agg_call(src_r, dst_r, hs2)
    hs3 = _tc_mid(p0, p1, hs2, dis, b2.reshape(1, H), W3)
    p0, p1 = _agg_call(src_r, dst_r, hs3)

    logits = _tc_final(p0, p1, hs3, dis, b3.reshape(1, H),
                       Wg1, bg1.reshape(1, H), Wg2, bg2.reshape(1, 1),
                       Wl1, bl1.reshape(1, H), Wl2, bl2.reshape(1, OUT),
                       batch_col)
    return (logits, jnp.zeros((), jnp.float32))

# --- scband reference (transcript-rebuilt; emitter-appended) ---
"""Pipeline reference for scband-global-attention-classifier-77704548319506 (READ-ONLY COPY).

The authoritative reference and input builder live on the scoring server;
editing this copy changes nothing except your own understanding.
"""

import jax, jax.numpy as jnp
import numpy as np

N = 10000
E = 320000
D = 128
H = 128
OUT = 10
G = 64


def setup_inputs(seed: int = 0) -> dict:
    key = jax.random.key(seed)
    ks = jax.random.split(key, 20)
    x = jax.random.normal(ks[0], (N, D), dtype=jnp.float32)
    edge_index = jax.random.randint(ks[1], (2, E), 0, N, dtype=jnp.int32)
    batch = jnp.sort(jax.random.randint(ks[2], (N,), 0, G, dtype=jnp.int32))
    s = 0.05
    W1 = jax.random.normal(ks[3], (D, H), dtype=jnp.float32) * s
    b1 = jnp.zeros((H,), jnp.float32)
    W2 = jax.random.normal(ks[4], (H, H), dtype=jnp.float32) * s
    b2 = jnp.zeros((H,), jnp.float32)
    W3 = jax.random.normal(ks[5], (H, H), dtype=jnp.float32) * s
    b3 = jnp.zeros((H,), jnp.float32)
    Wg1 = jax.random.normal(ks[6], (H, H), dtype=jnp.float32) * s
    bg1 = jnp.zeros((H,), jnp.float32)
    Wg2 = jax.random.normal(ks[7], (H, 1), dtype=jnp.float32) * s
    bg2 = jnp.zeros((1,), jnp.float32)
    Wl1 = jax.random.normal(ks[8], (H, H), dtype=jnp.float32) * s
    bl1 = jnp.zeros((H,), jnp.float32)
    Wl2 = jax.random.normal(ks[9], (H, OUT), dtype=jnp.float32) * s
    bl2 = jnp.zeros((OUT,), jnp.float32)
    return {"x": x, "edge_index": edge_index, "batch": batch,
            "W1": W1, "b1": b1, "W2": W2, "b2": b2, "W3": W3, "b3": b3,
            "Wg1": Wg1, "bg1": bg1, "Wg2": Wg2, "bg2": bg2,
            "Wl1": Wl1, "bl1": bl1, "Wl2": Wl2, "bl2": bl2}


def _gcn_conv(x, src, dst, W, b):
    # GCNConv with self-loops and symmetric normalization (PyG semantics)
    loops = jnp.arange(N, dtype=src.dtype)
    s = jnp.concatenate([src, loops])
    d = jnp.concatenate([dst, loops])
    ones = jnp.ones(s.shape[0], jnp.float32)
    deg = jax.ops.segment_sum(ones, d, num_segments=N)
    dis = jnp.where(deg > 0, jax.lax.rsqrt(jnp.maximum(deg, 1e-12)), 0.0)
    norm = dis[s] * dis[d]
    h = x @ W
    msg = h[s] * norm[:, None]
    out = jax.ops.segment_sum(msg, d, num_segments=N) + b
    return out


def reference(x, edge_index, batch, W1, b1, W2, b2, W3, b3,
              Wg1, bg1, Wg2, bg2, Wl1, bl1, Wl2, bl2):
    src = edge_index[0]
    dst = edge_index[1]
    h = x
    for (W, b) in ((W1, b1), (W2, b2), (W3, b3)):
        h = jax.nn.relu(_gcn_conv(h, src, dst, W, b))
        # dropout p applied in training only; eval -> identity
    # GlobalAttention pooling
    gate = (jax.nn.relu(h @ Wg1 + bg1) @ Wg2 + bg2)[:, 0]  # [N]
    m = jax.ops.segment_max(gate, batch, num_segments=G)
    m = jnp.where(jnp.isfinite(m), m, 0.0)
    e = jnp.exp(gate - m[batch])
    denom = jax.ops.segment_sum(e, batch, num_segments=G)
    alpha = e / jnp.maximum(denom[batch], 1e-16)
    pooled = jax.ops.segment_sum(alpha[:, None] * h, batch, num_segments=G)  # [G, H]
    # MLP head (dropout eval -> identity)
    logits = jax.nn.relu(pooled @ Wl1 + bl1) @ Wl2 + bl2
    return (logits, jnp.zeros((), jnp.float32))

if __name__ == "__main__":
    import jax
    _d = setup_inputs()
    print(jax.jit(kernel)(*tuple(_d.values())))

</pallas_src>

<mosaic_0001>
#map = affine_map<(d0, d1) -> (0, 0, 0)>
#map1 = affine_map<(d0, d1) -> (0)>
module attributes {stable_mosaic.version = 14 : i64} {
  func.func @_deg_body(%arg0: i32, %arg1: i32, %arg2: memref<32x79x128xi32, #tpu.memory_space<hbm>>, %arg3: memref<10240xf32, #tpu.memory_space<hbm>>, %arg4: memref<128xf32, #tpu.memory_space<hbm>>, %arg5: memref<10240xf32, #tpu.memory_space<hbm>>, %arg6: memref<10240xf32, #tpu.memory_space<hbm>>, %arg7: memref<79x128xi32, #tpu.memory_space<vmem>>, %arg8: memref<128xf32, #tpu.memory_space<vmem>>, %arg9: memref<10240xf32, #tpu.memory_space<vmem_shared>>, %arg10: memref<!tpu.dma_semaphore, #tpu.memory_space<semaphore_mem>>) attributes {dimension_semantics = [#tpu.dimension_semantics<core_parallel>, #tpu.dimension_semantics<subcore_parallel>], iteration_bounds = array<i64: 2, 16>, scalar_prefetch = 0 : i64, scratch_operands = 4 : i64, tpu.core_type = #tpu.core_type<sc_vector_subcore>, window_params = [{transform_indices = #map}, {transform_indices = #map1}, {transform_indices = #map1}, {transform_indices = #map1}, {transform_indices = #map1}]} {
    %mul3A = arith.constant 16 : i32
    %mul3A_0 = arith.muli %arg0, %mul3A : i32
    %add3A = arith.addi %mul3A_0, %arg1 : i32
    %mul3A_1 = arith.constant 640 : i32
    %mul3A_2 = arith.muli %arg1, %mul3A_1 : i32
    "tpu.region"() ({
      %run_scoped3A = tpu.sem_alloc : memref<!tpu.dma_semaphore, #tpu.memory_space<semaphore_mem>>
      %dma_start3A = tpu.memref_slice %arg9[%mul3A_2] : memref<10240xf32, #tpu.memory_space<vmem_shared>> -> memref<640xf32, #tpu.memory_space<vmem_shared>>
      %dma_start3A_16 = tpu.memref_slice %arg3[%mul3A_2] : memref<10240xf32, #tpu.memory_space<hbm>> -> memref<640xf32, #tpu.memory_space<hbm>>
      tpu.enqueue_dma source(%dma_start3A_16 : memref<640xf32, #tpu.memory_space<hbm>>) target(%dma_start3A : memref<640xf32, #tpu.memory_space<vmem_shared>>) target_semaphore(%run_scoped3A : memref<!tpu.dma_semaphore, #tpu.memory_space<semaphore_mem>>)
      %dma_wait3A = tpu.memref_slice %arg9[%mul3A_2] : memref<10240xf32, #tpu.memory_space<vmem_shared>> -> memref<640xf32, #tpu.memory_space<vmem_shared>>
      %dma_wait3A_17 = tpu.memref_slice %arg3[%mul3A_2] : memref<10240xf32, #tpu.memory_space<hbm>> -> memref<640xf32, #tpu.memory_space<hbm>>
      tpu.wait_dma2 semaphore(%run_scoped3A : memref<!tpu.dma_semaphore, #tpu.memory_space<semaphore_mem>>) src(%dma_wait3A_17 : memref<640xf32, #tpu.memory_space<hbm>>) dst(%dma_wait3A : memref<640xf32, #tpu.memory_space<vmem_shared>>)
      tpu.yield
    }) : () -> ()
    "tpu.region"() ({
      %run_scoped3A = tpu.sem_alloc : memref<!tpu.dma_semaphore, #tpu.memory_space<semaphore_mem>>
      tpu.enqueue_dma source(%arg4 : memref<128xf32, #tpu.memory_space<hbm>>) target(%arg8 : memref<128xf32, #tpu.memory_space<vmem>>) target_semaphore(%run_scoped3A : memref<!tpu.dma_semaphore, #tpu.memory_space<semaphore_mem>>)
      tpu.wait_dma2 semaphore(%run_scoped3A : memref<!tpu.dma_semaphore, #tpu.memory_space<semaphore_mem>>) src(%arg4 : memref<128xf32, #tpu.memory_space<hbm>>) dst(%arg8 : memref<128xf32, #tpu.memory_space<vmem>>)
      tpu.yield
    }) : () -> ()
    "tpu.region"() ({
      %run_scoped3A = tpu.sem_alloc : memref<!tpu.dma_semaphore, #tpu.memory_space<semaphore_mem>>
      %dma_start3A = arith.constant 0 : i32
      %dma_start3A_16 = arith.constant 0 : i32
      %dma_start3A_17 = tpu.memref_slice %arg2[%add3A, %dma_start3A, %dma_start3A_16] : memref<32x79x128xi32, #tpu.memory_space<hbm>> -> memref<1x79x128xi32, #tpu.memory_space<hbm>>
      %dma_start3A_18 = tpu.memref_squeeze %dma_start3A_17 : memref<1x79x128xi32, #tpu.memory_space<hbm>> -> memref<79x128xi32, #tpu.memory_space<hbm>>
      %dma_start3A_19 = arith.constant 0 : i32
      %dma_start3A_20 = arith.constant 0 : i32
      %dma_start3A_21 = tpu.memref_slice %arg2[%add3A, %dma_start3A_19, %dma_start3A_20] : memref<32x79x128xi32, #tpu.memory_space<hbm>> -> memref<1x79x128xi32, #tpu.memory_space<hbm>>
      %dma_start3A_22 = tpu.memref_squeeze %dma_start3A_21 : memref<1x79x128xi32, #tpu.memory_space<hbm>> -> memref<79x128xi32, #tpu.memory_space<hbm>>
      tpu.enqueue_dma source(%dma_start3A_22 : memref<79x128xi32, #tpu.memory_space<hbm>>) target(%arg7 : memref<79x128xi32, #tpu.memory_space<vmem>>) target_semaphore(%run_scoped3A : memref<!tpu.dma_semaphore, #tpu.memory_space<semaphore_mem>>)
      %dma_wait3A = arith.constant 0 : i32
      %dma_wait3A_23 = arith.constant 0 : i32
      %dma_wait3A_24 = tpu.memref_slice %arg2[%add3A, %dma_wait3A, %dma_wait3A_23] : memref<32x79x128xi32, #tpu.memory_space<hbm>> -> memref<1x79x128xi32, #tpu.memory_space<hbm>>
      %dma_wait3A_25 = tpu.memref_squeeze %dma_wait3A_24 : memref<1x79x128xi32, #tpu.memory_space<hbm>> -> memref<79x128xi32, #tpu.memory_space<hbm>>
      %dma_wait3A_26 = arith.constant 0 : i32
      %dma_wait3A_27 = arith.constant 0 : i32
      %dma_wait3A_28 = tpu.memref_slice %arg2[%add3A, %dma_wait3A_26, %dma_wait3A_27] : memref<32x79x128xi32, #tpu.memory_space<hbm>> -> memref<1x79x128xi32, #tpu.memory_space<hbm>>
      %dma_wait3A_29 = tpu.memref_squeeze %dma_wait3A_28 : memref<1x79x128xi32, #tpu.memory_space<hbm>> -> memref<79x128xi32, #tpu.memory_space<hbm>>
      tpu.wait_dma2 semaphore(%run_scoped3A : memref<!tpu.dma_semaphore, #tpu.memory_space<semaphore_mem>>) src(%dma_wait3A_29 : memref<79x128xi32, #tpu.memory_space<hbm>>) dst(%arg7 : memref<79x128xi32, #tpu.memory_space<vmem>>)
      tpu.yield
    }) : () -> ()
    %barrier3A = arith.constant 0 : index
    tpu.barrier barrier_id(%barrier3A)
    %scan3A = arith.constant 0 : i32
    %scan3A_3 = arith.constant 0 : i32
    %scan3A_4 = arith.constant 79 : i32
    %scan3A_5 = arith.addi %scan3A_3, %scan3A_4 : i32
    %scan3A_6 = arith.constant 1 : i32
    scf.for %scan3A_16 = %scan3A_3 to %scan3A_5 step %scan3A_6  : i32 {
      "tpu.region"() ({
        %run_scoped3A = tpu.sem_alloc : memref<!tpu.dma_semaphore, #tpu.memory_space<semaphore_mem>>
        %dma_start3A = arith.constant 0 : i32
        %dma_start3A_17 = tpu.memref_slice %arg7[%scan3A_16, %dma_start3A] : memref<79x128xi32, #tpu.memory_space<vmem>> -> memref<1x128xi32, #tpu.memory_space<vmem>>
        %dma_start3A_18 = tpu.memref_squeeze %dma_start3A_17 : memref<1x128xi32, #tpu.memory_space<vmem>> -> memref<128xi32, #tpu.memory_space<vmem>>
        %dma_start3A_19 = arith.constant 0 : i32
        %dma_start3A_20 = tpu.memref_slice %arg9[%dma_start3A_19] : memref<10240xf32, #tpu.memory_space<vmem_shared>> -> memref<10240xf32, #tpu.memory_space<vmem_shared>>
        tpu.enqueue_indirect_dma source(%arg8 : memref<128xf32, #tpu.memory_space<vmem>>) target(%dma_start3A_20 : memref<10240xf32, #tpu.memory_space<vmem_shared>>) offsets(%dma_start3A_18 : memref<128xi32, #tpu.memory_space<vmem>>) semaphore(%run_scoped3A : memref<!tpu.dma_semaphore, #tpu.memory_space<semaphore_mem>>) {add = true}
        %dma_wait3A = arith.constant 0 : i32
        %dma_wait3A_21 = tpu.memref_slice %arg7[%scan3A_16, %dma_wait3A] : memref<79x128xi32, #tpu.memory_space<vmem>> -> memref<1x128xi32, #tpu.memory_space<vmem>>
        %dma_wait3A_22 = tpu.memref_squeeze %dma_wait3A_21 : memref<1x128xi32, #tpu.memory_space<vmem>> -> memref<128xi32, #tpu.memory_space<vmem>>
        %dma_wait3A_23 = arith.constant 0 : i32
        %dma_wait3A_24 = tpu.memref_slice %arg9[%dma_wait3A_23] : memref<10240xf32, #tpu.memory_space<vmem_shared>> -> memref<10240xf32, #tpu.memory_space<vmem_shared>>
        tpu.wait_indirect_dma semaphore(%run_scoped3A : memref<!tpu.dma_semaphore, #tpu.memory_space<semaphore_mem>>) src(%arg8 : memref<128xf32, #tpu.memory_space<vmem>>) dst(%dma_wait3A_24 : memref<10240xf32, #tpu.memory_space<vmem_shared>>)
        tpu.yield
      }) : () -> ()
    }
    %scan3A_7 = arith.constant 79 : i32
    %barrier3A_8 = arith.constant 0 : index
    tpu.barrier barrier_id(%barrier3A_8)
    %eq3A = arith.constant 0 : i32
    %eq3A_9 = arith.cmpi eq, %arg0, %eq3A : i32
    %convert_element_type3A = arith.extui %eq3A_9 : i1 to i32
    %cond3A = arith.constant 0 : i32
    %cond3A_10 = arith.cmpi ne, %convert_element_type3A, %cond3A : i32
    scf.if %cond3A_10 {
      "tpu.region"() ({
        %run_scoped3A = tpu.sem_alloc : memref<!tpu.dma_semaphore, #tpu.memory_space<semaphore_mem>>
        %dma_start3A = tpu.memref_slice %arg5[%mul3A_2] : memref<10240xf32, #tpu.memory_space<hbm>> -> memref<640xf32, #tpu.memory_space<hbm>>
        %dma_start3A_16 = tpu.memref_slice %arg9[%mul3A_2] : memref<10240xf32, #tpu.memory_space<vmem_shared>> -> memref<640xf32, #tpu.memory_space<vmem_shared>>
        tpu.enqueue_dma source(%dma_start3A_16 : memref<640xf32, #tpu.memory_space<vmem_shared>>) target(%dma_start3A : memref<640xf32, #tpu.memory_space<hbm>>) target_semaphore(%run_scoped3A : memref<!tpu.dma_semaphore, #tpu.memory_space<semaphore_mem>>)
        %dma_wait3A = tpu.memref_slice %arg5[%mul3A_2] : memref<10240xf32, #tpu.memory_space<hbm>> -> memref<640xf32, #tpu.memory_space<hbm>>
        %dma_wait3A_17 = tpu.memref_slice %arg9[%mul3A_2] : memref<10240xf32, #tpu.memory_space<vmem_shared>> -> memref<640xf32, #tpu.memory_space<vmem_shared>>
        tpu.wait_dma2 semaphore(%run_scoped3A : memref<!tpu.dma_semaphore, #tpu.memory_space<semaphore_mem>>) src(%dma_wait3A_17 : memref<640xf32, #tpu.memory_space<vmem_shared>>) dst(%dma_wait3A : memref<640xf32, #tpu.memory_space<hbm>>)
        tpu.yield
      }) : () -> ()
    } else {
    }
    %eq3A_11 = arith.constant 1 : i32
    %eq3A_12 = arith.cmpi eq, %arg0, %eq3A_11 : i32
    %convert_element_type3A_13 = arith.extui %eq3A_12 : i1 to i32
    %cond3A_14 = arith.constant 0 : i32
    %cond3A_15 = arith.cmpi ne, %convert_element_type3A_13, %cond3A_14 : i32
    scf.if %cond3A_15 {
      "tpu.region"() ({
        %run_scoped3A = tpu.sem_alloc : memref<!tpu.dma_semaphore, #tpu.memory_space<semaphore_mem>>
        %dma_start3A = tpu.memref_slice %arg6[%mul3A_2] : memref<10240xf32, #tpu.memory_space<hbm>> -> memref<640xf32, #tpu.memory_space<hbm>>
        %dma_start3A_16 = tpu.memref_slice %arg9[%mul3A_2] : memref<10240xf32, #tpu.memory_space<vmem_shared>> -> memref<640xf32, #tpu.memory_space<vmem_shared>>
        tpu.enqueue_dma source(%dma_start3A_16 : memref<640xf32, #tpu.memory_space<vmem_shared>>) target(%dma_start3A : memref<640xf32, #tpu.memory_space<hbm>>) target_semaphore(%run_scoped3A : memref<!tpu.dma_semaphore, #tpu.memory_space<semaphore_mem>>)
        %dma_wait3A = tpu.memref_slice %arg6[%mul3A_2] : memref<10240xf32, #tpu.memory_space<hbm>> -> memref<640xf32, #tpu.memory_space<hbm>>
        %dma_wait3A_17 = tpu.memref_slice %arg9[%mul3A_2] : memref<10240xf32, #tpu.memory_space<vmem_shared>> -> memref<640xf32, #tpu.memory_space<vmem_shared>>
        tpu.wait_dma2 semaphore(%run_scoped3A : memref<!tpu.dma_semaphore, #tpu.memory_space<semaphore_mem>>) src(%dma_wait3A_17 : memref<640xf32, #tpu.memory_space<vmem_shared>>) dst(%dma_wait3A : memref<640xf32, #tpu.memory_space<hbm>>)
        tpu.yield
      }) : () -> ()
    } else {
    }
    return
  }
}

#map = affine_map<(d0, d1) -> (0, 0, 0)>
#map1 = affine_map<(d0, d1) -> (0, 0)>
module attributes {stable_mosaic.version = 14 : i64} {
  func.func @_agg_body(%arg0: i32, %arg1: i32, %arg2: memref<32x79x128xi32, #tpu.memory_space<hbm>>, %arg3: memref<32x79x128xi32, #tpu.memory_space<hbm>>, %arg4: memref<10240x128xf32, #tpu.memory_space<hbm>>, %arg5: memref<10240x128xf32, #tpu.memory_space<hbm>>, %arg6: memref<10240x128xf32, #tpu.memory_space<hbm>>, %arg7: memref<79x128xi32, #tpu.memory_space<vmem>>, %arg8: memref<79x128xi32, #tpu.memory_space<vmem>>, %arg9: memref<128x128xf32, #tpu.memory_space<vmem>>, %arg10: memref<10240x128xf32, #tpu.memory_space<vmem_shared>>, %arg11: memref<!tpu.dma_semaphore, #tpu.memory_space<semaphore_mem>>) attributes {dimension_semantics = [#tpu.dimension_semantics<core_parallel>, #tpu.dimension_semantics<subcore_parallel>], iteration_bounds = array<i64: 2, 16>, scalar_prefetch = 0 : i64, scratch_operands = 5 : i64, tpu.core_type = #tpu.core_type<sc_vector_subcore>, window_params = [{transform_indices = #map}, {transform_indices = #map}, {transform_indices = #map1}, {transform_indices = #map1}, {transform_indices = #map1}]} {
    %mul3A = arith.constant 16 : i32
    %mul3A_0 = arith.muli %arg0, %mul3A : i32
    %add3A = arith.addi %mul3A_0, %arg1 : i32
    %mul3A_1 = arith.constant 640 : i32
    %mul3A_2 = arith.muli %arg1, %mul3A_1 : i32
    "tpu.region"() ({
      %run_scoped3A = tpu.sem_alloc : memref<!tpu.dma_semaphore, #tpu.memory_space<semaphore_mem>>
      %dma_start3A = arith.constant 0 : i32
      %dma_start3A_16 = tpu.memref_slice %arg10[%mul3A_2, %dma_start3A] : memref<10240x128xf32, #tpu.memory_space<vmem_shared>> -> memref<640x128xf32, #tpu.memory_space<vmem_shared>>
      %dma_start3A_17 = arith.constant 0 : i32
      %dma_start3A_18 = tpu.memref_slice %arg4[%mul3A_2, %dma_start3A_17] : memref<10240x128xf32, #tpu.memory_space<hbm>> -> memref<640x128xf32, #tpu.memory_space<hbm>>
      tpu.enqueue_dma source(%dma_start3A_18 : memref<640x128xf32, #tpu.memory_space<hbm>>) target(%dma_start3A_16 : memref<640x128xf32, #tpu.memory_space<vmem_shared>>) target_semaphore(%run_scoped3A : memref<!tpu.dma_semaphore, #tpu.memory_space<semaphore_mem>>)
      %dma_wait3A = arith.constant 0 : i32
      %dma_wait3A_19 = tpu.memref_slice %arg10[%mul3A_2, %dma_wait3A] : memref<10240x128xf32, #tpu.memory_space<vmem_shared>> -> memref<640x128xf32, #tpu.memory_space<vmem_shared>>
      %dma_wait3A_20 = arith.constant 0 : i32
      %dma_wait3A_21 = tpu.memref_slice %arg4[%mul3A_2, %dma_wait3A_20] : memref<10240x128xf32, #tpu.memory_space<hbm>> -> memref<640x128xf32, #tpu.memory_space<hbm>>
      tpu.wait_dma2 semaphore(%run_scoped3A : memref<!tpu.dma_semaphore, #tpu.memory_space<semaphore_mem>>) src(%dma_wait3A_21 : memref<640x128xf32, #tpu.memory_space<hbm>>) dst(%dma_wait3A_19 : memref<640x128xf32, #tpu.memory_space<vmem_shared>>)
      tpu.yield
    }) : () -> ()
    "tpu.region"() ({
      %run_scoped3A = tpu.sem_alloc : memref<!tpu.dma_semaphore, #tpu.memory_space<semaphore_mem>>
      %dma_start3A = arith.constant 0 : i32
      %dma_start3A_16 = arith.constant 0 : i32
      %dma_start3A_17 = tpu.memref_slice %arg2[%add3A, %dma_start3A, %dma_start3A_16] : memref<32x79x128xi32, #tpu.memory_space<hbm>> -> memref<1x79x128xi32, #tpu.memory_space<hbm>>
      %dma_start3A_18 = tpu.memref_squeeze %dma_start3A_17 : memref<1x79x128xi32, #tpu.memory_space<hbm>> -> memref<79x128xi32, #tpu.memory_space<hbm>>
      %dma_start3A_19 = arith.constant 0 : i32
      %dma_start3A_20 = arith.constant 0 : i32
      %dma_start3A_21 = tpu.memref_slice %arg2[%add3A, %dma_start3A_19, %dma_start3A_20] : memref<32x79x128xi32, #tpu.memory_space<hbm>> -> memref<1x79x128xi32, #tpu.memory_space<hbm>>
      %dma_start3A_22 = tpu.memref_squeeze %dma_start3A_21 : memref<1x79x128xi32, #tpu.memory_space<hbm>> -> memref<79x128xi32, #tpu.memory_space<hbm>>
      tpu.enqueue_dma source(%dma_start3A_22 : memref<79x128xi32, #tpu.memory_space<hbm>>) target(%arg7 : memref<79x128xi32, #tpu.memory_space<vmem>>) target_semaphore(%run_scoped3A : memref<!tpu.dma_semaphore, #tpu.memory_space<semaphore_mem>>)
      %dma_wait3A = arith.constant 0 : i32
      %dma_wait3A_23 = arith.constant 0 : i32
      %dma_wait3A_24 = tpu.memref_slice %arg2[%add3A, %dma_wait3A, %dma_wait3A_23] : memref<32x79x128xi32, #tpu.memory_space<hbm>> -> memref<1x79x128xi32, #tpu.memory_space<hbm>>
      %dma_wait3A_25 = tpu.memref_squeeze %dma_wait3A_24 : memref<1x79x128xi32, #tpu.memory_space<hbm>> -> memref<79x128xi32, #tpu.memory_space<hbm>>
      %dma_wait3A_26 = arith.constant 0 : i32
      %dma_wait3A_27 = arith.constant 0 : i32
      %dma_wait3A_28 = tpu.memref_slice %arg2[%add3A, %dma_wait3A_26, %dma_wait3A_27] : memref<32x79x128xi32, #tpu.memory_space<hbm>> -> memref<1x79x128xi32, #tpu.memory_space<hbm>>
      %dma_wait3A_29 = tpu.memref_squeeze %dma_wait3A_28 : memref<1x79x128xi32, #tpu.memory_space<hbm>> -> memref<79x128xi32, #tpu.memory_space<hbm>>
      tpu.wait_dma2 semaphore(%run_scoped3A : memref<!tpu.dma_semaphore, #tpu.memory_space<semaphore_mem>>) src(%dma_wait3A_29 : memref<79x128xi32, #tpu.memory_space<hbm>>) dst(%arg7 : memref<79x128xi32, #tpu.memory_space<vmem>>)
      tpu.yield
    }) : () -> ()
    "tpu.region"() ({
      %run_scoped3A = tpu.sem_alloc : memref<!tpu.dma_semaphore, #tpu.memory_space<semaphore_mem>>
      %dma_start3A = arith.constant 0 : i32
      %dma_start3A_16 = arith.constant 0 : i32
      %dma_start3A_17 = tpu.memref_slice %arg3[%add3A, %dma_start3A, %dma_start3A_16] : memref<32x79x128xi32, #tpu.memory_space<hbm>> -> memref<1x79x128xi32, #tpu.memory_space<hbm>>
      %dma_start3A_18 = tpu.memref_squeeze %dma_start3A_17 : memref<1x79x128xi32, #tpu.memory_space<hbm>> -> memref<79x128xi32, #tpu.memory_space<hbm>>
      %dma_start3A_19 = arith.constant 0 : i32
      %dma_start3A_20 = arith.constant 0 : i32
      %dma_start3A_21 = tpu.memref_slice %arg3[%add3A, %dma_start3A_19, %dma_start3A_20] : memref<32x79x128xi32, #tpu.memory_space<hbm>> -> memref<1x79x128xi32, #tpu.memory_space<hbm>>
      %dma_start3A_22 = tpu.memref_squeeze %dma_start3A_21 : memref<1x79x128xi32, #tpu.memory_space<hbm>> -> memref<79x128xi32, #tpu.memory_space<hbm>>
      tpu.enqueue_dma source(%dma_start3A_22 : memref<79x128xi32, #tpu.memory_space<hbm>>) target(%arg8 : memref<79x128xi32, #tpu.memory_space<vmem>>) target_semaphore(%run_scoped3A : memref<!tpu.dma_semaphore, #tpu.memory_space<semaphore_mem>>)
      %dma_wait3A = arith.constant 0 : i32
      %dma_wait3A_23 = arith.constant 0 : i32
      %dma_wait3A_24 = tpu.memref_slice %arg3[%add3A, %dma_wait3A, %dma_wait3A_23] : memref<32x79x128xi32, #tpu.memory_space<hbm>> -> memref<1x79x128xi32, #tpu.memory_space<hbm>>
      %dma_wait3A_25 = tpu.memref_squeeze %dma_wait3A_24 : memref<1x79x128xi32, #tpu.memory_space<hbm>> -> memref<79x128xi32, #tpu.memory_space<hbm>>
      %dma_wait3A_26 = arith.constant 0 : i32
      %dma_wait3A_27 = arith.constant 0 : i32
      %dma_wait3A_28 = tpu.memref_slice %arg3[%add3A, %dma_wait3A_26, %dma_wait3A_27] : memref<32x79x128xi32, #tpu.memory_space<hbm>> -> memref<1x79x128xi32, #tpu.memory_space<hbm>>
      %dma_wait3A_29 = tpu.memref_squeeze %dma_wait3A_28 : memref<1x79x128xi32, #tpu.memory_space<hbm>> -> memref<79x128xi32, #tpu.memory_space<hbm>>
      tpu.wait_dma2 semaphore(%run_scoped3A : memref<!tpu.dma_semaphore, #tpu.memory_space<semaphore_mem>>) src(%dma_wait3A_29 : memref<79x128xi32, #tpu.memory_space<hbm>>) dst(%arg8 : memref<79x128xi32, #tpu.memory_space<vmem>>)
      tpu.yield
    }) : () -> ()
    %barrier3A = arith.constant 0 : index
    tpu.barrier barrier_id(%barrier3A)
    %scan3A = arith.constant 0 : i32
    %scan3A_3 = arith.constant 0 : i32
    %scan3A_4 = arith.constant 79 : i32
    %scan3A_5 = arith.addi %scan3A_3, %scan3A_4 : i32
    %scan3A_6 = arith.constant 1 : i32
    scf.for %scan3A_16 = %scan3A_3 to %scan3A_5 step %scan3A_6  : i32 {
      %dma_start3A = arith.constant 0 : i32
      %dma_start3A_17 = tpu.memref_slice %arg7[%scan3A_16, %dma_start3A] : memref<79x128xi32, #tpu.memory_space<vmem>> -> memref<1x128xi32, #tpu.memory_space<vmem>>
      %dma_start3A_18 = tpu.memref_squeeze %dma_start3A_17 : memref<1x128xi32, #tpu.memory_space<vmem>> -> memref<128xi32, #tpu.memory_space<vmem>>
      %dma_start3A_19 = arith.constant 0 : i32
      %dma_start3A_20 = arith.constant 0 : i32
      %dma_start3A_21 = tpu.memref_slice %arg4[%dma_start3A_19, %dma_start3A_20] : memref<10240x128xf32, #tpu.memory_space<hbm>> -> memref<10240x128xf32, #tpu.memory_space<hbm>>
      tpu.enqueue_indirect_dma source(%dma_start3A_21 : memref<10240x128xf32, #tpu.memory_space<hbm>>) target(%arg9 : memref<128x128xf32, #tpu.memory_space<vmem>>) offsets(%dma_start3A_18 : memref<128xi32, #tpu.memory_space<vmem>>) semaphore(%arg11 : memref<!tpu.dma_semaphore, #tpu.memory_space<semaphore_mem>>)
      %dma_wait3A = arith.constant 0 : i32
      %dma_wait3A_22 = tpu.memref_slice %arg7[%scan3A_16, %dma_wait3A] : memref<79x128xi32, #tpu.memory_space<vmem>> -> memref<1x128xi32, #tpu.memory_space<vmem>>
      %dma_wait3A_23 = tpu.memref_squeeze %dma_wait3A_22 : memref<1x128xi32, #tpu.memory_space<vmem>> -> memref<128xi32, #tpu.memory_space<vmem>>
      %dma_wait3A_24 = arith.constant 0 : i32
      %dma_wait3A_25 = arith.constant 0 : i32
      %dma_wait3A_26 = tpu.memref_slice %arg4[%dma_wait3A_24, %dma_wait3A_25] : memref<10240x128xf32, #tpu.memory_space<hbm>> -> memref<10240x128xf32, #tpu.memory_space<hbm>>
      tpu.wait_indirect_dma semaphore(%arg11 : memref<!tpu.dma_semaphore, #tpu.memory_space<semaphore_mem>>) src(%dma_wait3A_26 : memref<10240x128xf32, #tpu.memory_space<hbm>>) dst(%arg9 : memref<128x128xf32, #tpu.memory_space<vmem>>)
      "tpu.region"() ({
        %run_scoped3A = tpu.sem_alloc : memref<!tpu.dma_semaphore, #tpu.memory_space<semaphore_mem>>
        %dma_start3A_27 = arith.constant 0 : i32
        %dma_start3A_28 = tpu.memref_slice %arg8[%scan3A_16, %dma_start3A_27] : memref<79x128xi32, #tpu.memory_space<vmem>> -> memref<1x128xi32, #tpu.memory_space<vmem>>
        %dma_start3A_29 = tpu.memref_squeeze %dma_start3A_28 : memref<1x128xi32, #tpu.memory_space<vmem>> -> memref<128xi32, #tpu.memory_space<vmem>>
        %dma_start3A_30 = arith.constant 0 : i32
        %dma_start3A_31 = arith.constant 0 : i32
        %dma_start3A_32 = tpu.memref_slice %arg10[%dma_start3A_30, %dma_start3A_31] : memref<10240x128xf32, #tpu.memory_space<vmem_shared>> -> memref<10240x128xf32, #tpu.memory_space<vmem_shared>>
        tpu.enqueue_indirect_dma source(%arg9 : memref<128x128xf32, #tpu.memory_space<vmem>>) target(%dma_start3A_32 : memref<10240x128xf32, #tpu.memory_space<vmem_shared>>) offsets(%dma_start3A_29 : memref<128xi32, #tpu.memory_space<vmem>>) semaphore(%run_scoped3A : memref<!tpu.dma_semaphore, #tpu.memory_space<semaphore_mem>>) {add = true}
        %dma_wait3A_33 = arith.constant 0 : i32
        %dma_wait3A_34 = tpu.memref_slice %arg8[%scan3A_16, %dma_wait3A_33] : memref<79x128xi32, #tpu.memory_space<vmem>> -> memref<1x128xi32, #tpu.memory_space<vmem>>
        %dma_wait3A_35 = tpu.memref_squeeze %dma_wait3A_34 : memref<1x128xi32, #tpu.memory_space<vmem>> -> memref<128xi32, #tpu.memory_space<vmem>>
        %dma_wait3A_36 = arith.constant 0 : i32
        %dma_wait3A_37 = arith.constant 0 : i32
        %dma_wait3A_38 = tpu.memref_slice %arg10[%dma_wait3A_36, %dma_wait3A_37] : memref<10240x128xf32, #tpu.memory_space<vmem_shared>> -> memref<10240x128xf32, #tpu.memory_space<vmem_shared>>
        tpu.wait_indirect_dma semaphore(%run_scoped3A : memref<!tpu.dma_semaphore, #tpu.memory_space<semaphore_mem>>) src(%arg9 : memref<128x128xf32, #tpu.memory_space<vmem>>) dst(%dma_wait3A_38 : memref<10240x128xf32, #tpu.memory_space<vmem_shared>>)
        tpu.yield
      }) : () -> ()
    }
    %scan3A_7 = arith.constant 79 : i32
    %barrier3A_8 = arith.constant 0 : index
    tpu.barrier barrier_id(%barrier3A_8)
    %eq3A = arith.constant 0 : i32
    %eq3A_9 = arith.cmpi eq, %arg0, %eq3A : i32
    %convert_element_type3A = arith.extui %eq3A_9 : i1 to i32
    %cond3A = arith.constant 0 : i32
    %cond3A_10 = arith.cmpi ne, %convert_element_type3A, %cond3A : i32
    scf.if %cond3A_10 {
      "tpu.region"() ({
        %run_scoped3A = tpu.sem_alloc : memref<!tpu.dma_semaphore, #tpu.memory_space<semaphore_mem>>
        %dma_start3A = arith.constant 0 : i32
        %dma_start3A_16 = tpu.memref_slice %arg5[%mul3A_2, %dma_start3A] : memref<10240x128xf32, #tpu.memory_space<hbm>> -> memref<640x128xf32, #tpu.memory_space<hbm>>
        %dma_start3A_17 = arith.constant 0 : i32
        %dma_start3A_18 = tpu.memref_slice %arg10[%mul3A_2, %dma_start3A_17] : memref<10240x128xf32, #tpu.memory_space<vmem_shared>> -> memref<640x128xf32, #tpu.memory_space<vmem_shared>>
        tpu.enqueue_dma source(%dma_start3A_18 : memref<640x128xf32, #tpu.memory_space<vmem_shared>>) target(%dma_start3A_16 : memref<640x128xf32, #tpu.memory_space<hbm>>) target_semaphore(%run_scoped3A : memref<!tpu.dma_semaphore, #tpu.memory_space<semaphore_mem>>)
        %dma_wait3A = arith.constant 0 : i32
        %dma_wait3A_19 = tpu.memref_slice %arg5[%mul3A_2, %dma_wait3A] : memref<10240x128xf32, #tpu.memory_space<hbm>> -> memref<640x128xf32, #tpu.memory_space<hbm>>
        %dma_wait3A_20 = arith.constant 0 : i32
        %dma_wait3A_21 = tpu.memref_slice %arg10[%mul3A_2, %dma_wait3A_20] : memref<10240x128xf32, #tpu.memory_space<vmem_shared>> -> memref<640x128xf32, #tpu.memory_space<vmem_shared>>
        tpu.wait_dma2 semaphore(%run_scoped3A : memref<!tpu.dma_semaphore, #tpu.memory_space<semaphore_mem>>) src(%dma_wait3A_21 : memref<640x128xf32, #tpu.memory_space<vmem_shared>>) dst(%dma_wait3A_19 : memref<640x128xf32, #tpu.memory_space<hbm>>)
        tpu.yield
      }) : () -> ()
    } else {
    }
    %eq3A_11 = arith.constant 1 : i32
    %eq3A_12 = arith.cmpi eq, %arg0, %eq3A_11 : i32
    %convert_element_type3A_13 = arith.extui %eq3A_12 : i1 to i32
    %cond3A_14 = arith.constant 0 : i32
    %cond3A_15 = arith.cmpi ne, %convert_element_type3A_13, %cond3A_14 : i32
    scf.if %cond3A_15 {
      "tpu.region"() ({
        %run_scoped3A = tpu.sem_alloc : memref<!tpu.dma_semaphore, #tpu.memory_space<semaphore_mem>>
        %dma_start3A = arith.constant 0 : i32
        %dma_start3A_16 = tpu.memref_slice %arg6[%mul3A_2, %dma_start3A] : memref<10240x128xf32, #tpu.memory_space<hbm>> -> memref<640x128xf32, #tpu.memory_space<hbm>>
        %dma_start3A_17 = arith.constant 0 : i32
        %dma_start3A_18 = tpu.memref_slice %arg10[%mul3A_2, %dma_start3A_17] : memref<10240x128xf32, #tpu.memory_space<vmem_shared>> -> memref<640x128xf32, #tpu.memory_space<vmem_shared>>
        tpu.enqueue_dma source(%dma_start3A_18 : memref<640x128xf32, #tpu.memory_space<vmem_shared>>) target(%dma_start3A_16 : memref<640x128xf32, #tpu.memory_space<hbm>>) target_semaphore(%run_scoped3A : memref<!tpu.dma_semaphore, #tpu.memory_space<semaphore_mem>>)
        %dma_wait3A = arith.constant 0 : i32
        %dma_wait3A_19 = tpu.memref_slice %arg6[%mul3A_2, %dma_wait3A] : memref<10240x128xf32, #tpu.memory_space<hbm>> -> memref<640x128xf32, #tpu.memory_space<hbm>>
        %dma_wait3A_20 = arith.constant 0 : i32
        %dma_wait3A_21 = tpu.memref_slice %arg10[%mul3A_2, %dma_wait3A_20] : memref<10240x128xf32, #tpu.memory_space<vmem_shared>> -> memref<640x128xf32, #tpu.memory_space<vmem_shared>>
        tpu.wait_dma2 semaphore(%run_scoped3A : memref<!tpu.dma_semaphore, #tpu.memory_space<semaphore_mem>>) src(%dma_wait3A_21 : memref<640x128xf32, #tpu.memory_space<vmem_shared>>) dst(%dma_wait3A_19 : memref<640x128xf32, #tpu.memory_space<hbm>>)
        tpu.yield
      }) : () -> ()
    } else {
    }
    return
  }
}

#map = affine_map<(d0, d1) -> (0, 0, 0)>
#map1 = affine_map<(d0, d1) -> (0, 0)>
module attributes {stable_mosaic.version = 14 : i64} {
  func.func @_agg_body(%arg0: i32, %arg1: i32, %arg2: memref<32x79x128xi32, #tpu.memory_space<hbm>>, %arg3: memref<32x79x128xi32, #tpu.memory_space<hbm>>, %arg4: memref<10240x128xf32, #tpu.memory_space<hbm>>, %arg5: memref<10240x128xf32, #tpu.memory_space<hbm>>, %arg6: memref<10240x128xf32, #tpu.memory_space<hbm>>, %arg7: memref<79x128xi32, #tpu.memory_space<vmem>>, %arg8: memref<79x128xi32, #tpu.memory_space<vmem>>, %arg9: memref<128x128xf32, #tpu.memory_space<vmem>>, %arg10: memref<10240x128xf32, #tpu.memory_space<vmem_shared>>, %arg11: memref<!tpu.dma_semaphore, #tpu.memory_space<semaphore_mem>>) attributes {dimension_semantics = [#tpu.dimension_semantics<core_parallel>, #tpu.dimension_semantics<subcore_parallel>], iteration_bounds = array<i64: 2, 16>, scalar_prefetch = 0 : i64, scratch_operands = 5 : i64, tpu.core_type = #tpu.core_type<sc_vector_subcore>, window_params = [{transform_indices = #map}, {transform_indices = #map}, {transform_indices = #map1}, {transform_indices = #map1}, {transform_indices = #map1}]} {
    %mul3A = arith.constant 16 : i32
    %mul3A_0 = arith.muli %arg0, %mul3A : i32
    %add3A = arith.addi %mul3A_0, %arg1 : i32
    %mul3A_1 = arith.constant 640 : i32
    %mul3A_2 = arith.muli %arg1, %mul3A_1 : i32
    "tpu.region"() ({
      %run_scoped3A = tpu.sem_alloc : memref<!tpu.dma_semaphore, #tpu.memory_space<semaphore_mem>>
      %dma_start3A = arith.constant 0 : i32
      %dma_start3A_16 = tpu.memref_slice %arg10[%mul3A_2, %dma_start3A] : memref<10240x128xf32, #tpu.memory_space<vmem_shared>> -> memref<640x128xf32, #tpu.memory_space<vmem_shared>>
      %dma_start3A_17 = arith.constant 0 : i32
      %dma_start3A_18 = tpu.memref_slice %arg4[%mul3A_2, %dma_start3A_17] : memref<10240x128xf32, #tpu.memory_space<hbm>> -> memref<640x128xf32, #tpu.memory_space<hbm>>
      tpu.enqueue_dma source(%dma_start3A_18 : memref<640x128xf32, #tpu.memory_space<hbm>>) target(%dma_start3A_16 : memref<640x128xf32, #tpu.memory_space<vmem_shared>>) target_semaphore(%run_scoped3A : memref<!tpu.dma_semaphore, #tpu.memory_space<semaphore_mem>>)
      %dma_wait3A = arith.constant 0 : i32
      %dma_wait3A_19 = tpu.memref_slice %arg10[%mul3A_2, %dma_wait3A] : memref<10240x128xf32, #tpu.memory_space<vmem_shared>> -> memref<640x128xf32, #tpu.memory_space<vmem_shared>>
      %dma_wait3A_20 = arith.constant 0 : i32
      %dma_wait3A_21 = tpu.memref_slice %arg4[%mul3A_2, %dma_wait3A_20] : memref<10240x128xf32, #tpu.memory_space<hbm>> -> memref<640x128xf32, #tpu.memory_space<hbm>>
      tpu.wait_dma2 semaphore(%run_scoped3A : memref<!tpu.dma_semaphore, #tpu.memory_space<semaphore_mem>>) src(%dma_wait3A_21 : memref<640x128xf32, #tpu.memory_space<hbm>>) dst(%dma_wait3A_19 : memref<640x128xf32, #tpu.memory_space<vmem_shared>>)
      tpu.yield
    }) : () -> ()
    "tpu.region"() ({
      %run_scoped3A = tpu.sem_alloc : memref<!tpu.dma_semaphore, #tpu.memory_space<semaphore_mem>>
      %dma_start3A = arith.constant 0 : i32
      %dma_start3A_16 = arith.constant 0 : i32
      %dma_start3A_17 = tpu.memref_slice %arg2[%add3A, %dma_start3A, %dma_start3A_16] : memref<32x79x128xi32, #tpu.memory_space<hbm>> -> memref<1x79x128xi32, #tpu.memory_space<hbm>>
      %dma_start3A_18 = tpu.memref_squeeze %dma_start3A_17 : memref<1x79x128xi32, #tpu.memory_space<hbm>> -> memref<79x128xi32, #tpu.memory_space<hbm>>
      %dma_start3A_19 = arith.constant 0 : i32
      %dma_start3A_20 = arith.constant 0 : i32
      %dma_start3A_21 = tpu.memref_slice %arg2[%add3A, %dma_start3A_19, %dma_start3A_20] : memref<32x79x128xi32, #tpu.memory_space<hbm>> -> memref<1x79x128xi32, #tpu.memory_space<hbm>>
      %dma_start3A_22 = tpu.memref_squeeze %dma_start3A_21 : memref<1x79x128xi32, #tpu.memory_space<hbm>> -> memref<79x128xi32, #tpu.memory_space<hbm>>
      tpu.enqueue_dma source(%dma_start3A_22 : memref<79x128xi32, #tpu.memory_space<hbm>>) target(%arg7 : memref<79x128xi32, #tpu.memory_space<vmem>>) target_semaphore(%run_scoped3A : memref<!tpu.dma_semaphore, #tpu.memory_space<semaphore_mem>>)
      %dma_wait3A = arith.constant 0 : i32
      %dma_wait3A_23 = arith.constant 0 : i32
      %dma_wait3A_24 = tpu.memref_slice %arg2[%add3A, %dma_wait3A, %dma_wait3A_23] : memref<32x79x128xi32, #tpu.memory_space<hbm>> -> memref<1x79x128xi32, #tpu.memory_space<hbm>>
      %dma_wait3A_25 = tpu.memref_squeeze %dma_wait3A_24 : memref<1x79x128xi32, #tpu.memory_space<hbm>> -> memref<79x128xi32, #tpu.memory_space<hbm>>
      %dma_wait3A_26 = arith.constant 0 : i32
      %dma_wait3A_27 = arith.constant 0 : i32
      %dma_wait3A_28 = tpu.memref_slice %arg2[%add3A, %dma_wait3A_26, %dma_wait3A_27] : memref<32x79x128xi32, #tpu.memory_space<hbm>> -> memref<1x79x128xi32, #tpu.memory_space<hbm>>
      %dma_wait3A_29 = tpu.memref_squeeze %dma_wait3A_28 : memref<1x79x128xi32, #tpu.memory_space<hbm>> -> memref<79x128xi32, #tpu.memory_space<hbm>>
      tpu.wait_dma2 semaphore(%run_scoped3A : memref<!tpu.dma_semaphore, #tpu.memory_space<semaphore_mem>>) src(%dma_wait3A_29 : memref<79x128xi32, #tpu.memory_space<hbm>>) dst(%arg7 : memref<79x128xi32, #tpu.memory_space<vmem>>)
      tpu.yield
    }) : () -> ()
    "tpu.region"() ({
      %run_scoped3A = tpu.sem_alloc : memref<!tpu.dma_semaphore, #tpu.memory_space<semaphore_mem>>
      %dma_start3A = arith.constant 0 : i32
      %dma_start3A_16 = arith.constant 0 : i32
      %dma_start3A_17 = tpu.memref_slice %arg3[%add3A, %dma_start3A, %dma_start3A_16] : memref<32x79x128xi32, #tpu.memory_space<hbm>> -> memref<1x79x128xi32, #tpu.memory_space<hbm>>
      %dma_start3A_18 = tpu.memref_squeeze %dma_start3A_17 : memref<1x79x128xi32, #tpu.memory_space<hbm>> -> memref<79x128xi32, #tpu.memory_space<hbm>>
      %dma_start3A_19 = arith.constant 0 : i32
      %dma_start3A_20 = arith.constant 0 : i32
      %dma_start3A_21 = tpu.memref_slice %arg3[%add3A, %dma_start3A_19, %dma_start3A_20] : memref<32x79x128xi32, #tpu.memory_space<hbm>> -> memref<1x79x128xi32, #tpu.memory_space<hbm>>
      %dma_start3A_22 = tpu.memref_squeeze %dma_start3A_21 : memref<1x79x128xi32, #tpu.memory_space<hbm>> -> memref<79x128xi32, #tpu.memory_space<hbm>>
      tpu.enqueue_dma source(%dma_start3A_22 : memref<79x128xi32, #tpu.memory_space<hbm>>) target(%arg8 : memref<79x128xi32, #tpu.memory_space<vmem>>) target_semaphore(%run_scoped3A : memref<!tpu.dma_semaphore, #tpu.memory_space<semaphore_mem>>)
      %dma_wait3A = arith.constant 0 : i32
      %dma_wait3A_23 = arith.constant 0 : i32
      %dma_wait3A_24 = tpu.memref_slice %arg3[%add3A, %dma_wait3A, %dma_wait3A_23] : memref<32x79x128xi32, #tpu.memory_space<hbm>> -> memref<1x79x128xi32, #tpu.memory_space<hbm>>
      %dma_wait3A_25 = tpu.memref_squeeze %dma_wait3A_24 : memref<1x79x128xi32, #tpu.memory_space<hbm>> -> memref<79x128xi32, #tpu.memory_space<hbm>>
      %dma_wait3A_26 = arith.constant 0 : i32
      %dma_wait3A_27 = arith.constant 0 : i32
      %dma_wait3A_28 = tpu.memref_slice %arg3[%add3A, %dma_wait3A_26, %dma_wait3A_27] : memref<32x79x128xi32, #tpu.memory_space<hbm>> -> memref<1x79x128xi32, #tpu.memory_space<hbm>>
      %dma_wait3A_29 = tpu.memref_squeeze %dma_wait3A_28 : memref<1x79x128xi32, #tpu.memory_space<hbm>> -> memref<79x128xi32, #tpu.memory_space<hbm>>
      tpu.wait_dma2 semaphore(%run_scoped3A : memref<!tpu.dma_semaphore, #tpu.memory_space<semaphore_mem>>) src(%dma_wait3A_29 : memref<79x128xi32, #tpu.memory_space<hbm>>) dst(%arg8 : memref<79x128xi32, #tpu.memory_space<vmem>>)
      tpu.yield
    }) : () -> ()
    %barrier3A = arith.constant 0 : index
    tpu.barrier barrier_id(%barrier3A)
    %scan3A = arith.constant 0 : i32
    %scan3A_3 = arith.constant 0 : i32
    %scan3A_4 = arith.constant 79 : i32
    %scan3A_5 = arith.addi %scan3A_3, %scan3A_4 : i32
    %scan3A_6 = arith.constant 1 : i32
    scf.for %scan3A_16 = %scan3A_3 to %scan3A_5 step %scan3A_6  : i32 {
      %dma_start3A = arith.constant 0 : i32
      %dma_start3A_17 = tpu.memref_slice %arg7[%scan3A_16, %dma_start3A] : memref<79x128xi32, #tpu.memory_space<vmem>> -> memref<1x128xi32, #tpu.memory_space<vmem>>
      %dma_start3A_18 = tpu.memref_squeeze %dma_start3A_17 : memref<1x128xi32, #tpu.memory_space<vmem>> -> memref<128xi32, #tpu.memory_space<vmem>>
      %dma_start3A_19 = arith.constant 0 : i32
      %dma_start3A_20 = arith.constant 0 : i32
      %dma_start3A_21 = tpu.memref_slice %arg4[%dma_start3A_19, %dma_start3A_20] : memref<10240x128xf32, #tpu.memory_space<hbm>> -> memref<10240x128xf32, #tpu.memory_space<hbm>>
      tpu.enqueue_indirect_dma source(%dma_start3A_21 : memref<10240x128xf32, #tpu.memory_space<hbm>>) target(%arg9 : memref<128x128xf32, #tpu.memory_space<vmem>>) offsets(%dma_start3A_18 : memref<128xi32, #tpu.memory_space<vmem>>) semaphore(%arg11 : memref<!tpu.dma_semaphore, #tpu.memory_space<semaphore_mem>>)
      %dma_wait3A = arith.constant 0 : i32
      %dma_wait3A_22 = tpu.memref_slice %arg7[%scan3A_16, %dma_wait3A] : memref<79x128xi32, #tpu.memory_space<vmem>> -> memref<1x128xi32, #tpu.memory_space<vmem>>
      %dma_wait3A_23 = tpu.memref_squeeze %dma_wait3A_22 : memref<1x128xi32, #tpu.memory_space<vmem>> -> memref<128xi32, #tpu.memory_space<vmem>>
      %dma_wait3A_24 = arith.constant 0 : i32
      %dma_wait3A_25 = arith.constant 0 : i32
      %dma_wait3A_26 = tpu.memref_slice %arg4[%dma_wait3A_24, %dma_wait3A_25] : memref<10240x128xf32, #tpu.memory_space<hbm>> -> memref<10240x128xf32, #tpu.memory_space<hbm>>
      tpu.wait_indirect_dma semaphore(%arg11 : memref<!tpu.dma_semaphore, #tpu.memory_space<semaphore_mem>>) src(%dma_wait3A_26 : memref<10240x128xf32, #tpu.memory_space<hbm>>) dst(%arg9 : memref<128x128xf32, #tpu.memory_space<vmem>>)
      "tpu.region"() ({
        %run_scoped3A = tpu.sem_alloc : memref<!tpu.dma_semaphore, #tpu.memory_space<semaphore_mem>>
        %dma_start3A_27 = arith.constant 0 : i32
        %dma_start3A_28 = tpu.memref_slice %arg8[%scan3A_16, %dma_start3A_27] : memref<79x128xi32, #tpu.memory_space<vmem>> -> memref<1x128xi32, #tpu.memory_space<vmem>>
        %dma_start3A_29 = tpu.memref_squeeze %dma_start3A_28 : memref<1x128xi32, #tpu.memory_space<vmem>> -> memref<128xi32, #tpu.memory_space<vmem>>
        %dma_start3A_30 = arith.constant 0 : i32
        %dma_start3A_31 = arith.constant 0 : i32
        %dma_start3A_32 = tpu.memref_slice %arg10[%dma_start3A_30, %dma_start3A_31] : memref<10240x128xf32, #tpu.memory_space<vmem_shared>> -> memref<10240x128xf32, #tpu.memory_space<vmem_shared>>
        tpu.enqueue_indirect_dma source(%arg9 : memref<128x128xf32, #tpu.memory_space<vmem>>) target(%dma_start3A_32 : memref<10240x128xf32, #tpu.memory_space<vmem_shared>>) offsets(%dma_start3A_29 : memref<128xi32, #tpu.memory_space<vmem>>) semaphore(%run_scoped3A : memref<!tpu.dma_semaphore, #tpu.memory_space<semaphore_mem>>) {add = true}
        %dma_wait3A_33 = arith.constant 0 : i32
        %dma_wait3A_34 = tpu.memref_slice %arg8[%scan3A_16, %dma_wait3A_33] : memref<79x128xi32, #tpu.memory_space<vmem>> -> memref<1x128xi32, #tpu.memory_space<vmem>>
        %dma_wait3A_35 = tpu.memref_squeeze %dma_wait3A_34 : memref<1x128xi32, #tpu.memory_space<vmem>> -> memref<128xi32, #tpu.memory_space<vmem>>
        %dma_wait3A_36 = arith.constant 0 : i32
        %dma_wait3A_37 = arith.constant 0 : i32
        %dma_wait3A_38 = tpu.memref_slice %arg10[%dma_wait3A_36, %dma_wait3A_37] : memref<10240x128xf32, #tpu.memory_space<vmem_shared>> -> memref<10240x128xf32, #tpu.memory_space<vmem_shared>>
        tpu.wait_indirect_dma semaphore(%run_scoped3A : memref<!tpu.dma_semaphore, #tpu.memory_space<semaphore_mem>>) src(%arg9 : memref<128x128xf32, #tpu.memory_space<vmem>>) dst(%dma_wait3A_38 : memref<10240x128xf32, #tpu.memory_space<vmem_shared>>)
        tpu.yield
      }) : () -> ()
    }
    %scan3A_7 = arith.constant 79 : i32
    %barrier3A_8 = arith.constant 0 : index
    tpu.barrier barrier_id(%barrier3A_8)
    %eq3A = arith.constant 0 : i32
    %eq3A_9 = arith.cmpi eq, %arg0, %eq3A : i32
    %convert_element_type3A = arith.extui %eq3A_9 : i1 to i32
    %cond3A = arith.constant 0 : i32
    %cond3A_10 = arith.cmpi ne, %convert_element_type3A, %cond3A : i32
    scf.if %cond3A_10 {
      "tpu.region"() ({
        %run_scoped3A = tpu.sem_alloc : memref<!tpu.dma_semaphore, #tpu.memory_space<semaphore_mem>>
        %dma_start3A = arith.constant 0 : i32
        %dma_start3A_16 = tpu.memref_slice %arg5[%mul3A_2, %dma_start3A] : memref<10240x128xf32, #tpu.memory_space<hbm>> -> memref<640x128xf32, #tpu.memory_space<hbm>>
        %dma_start3A_17 = arith.constant 0 : i32
        %dma_start3A_18 = tpu.memref_slice %arg10[%mul3A_2, %dma_start3A_17] : memref<10240x128xf32, #tpu.memory_space<vmem_shared>> -> memref<640x128xf32, #tpu.memory_space<vmem_shared>>
        tpu.enqueue_dma source(%dma_start3A_18 : memref<640x128xf32, #tpu.memory_space<vmem_shared>>) target(%dma_start3A_16 : memref<640x128xf32, #tpu.memory_space<hbm>>) target_semaphore(%run_scoped3A : memref<!tpu.dma_semaphore, #tpu.memory_space<semaphore_mem>>)
        %dma_wait3A = arith.constant 0 : i32
        %dma_wait3A_19 = tpu.memref_slice %arg5[%mul3A_2, %dma_wait3A] : memref<10240x128xf32, #tpu.memory_space<hbm>> -> memref<640x128xf32, #tpu.memory_space<hbm>>
        %dma_wait3A_20 = arith.constant 0 : i32
        %dma_wait3A_21 = tpu.memref_slice %arg10[%mul3A_2, %dma_wait3A_20] : memref<10240x128xf32, #tpu.memory_space<vmem_shared>> -> memref<640x128xf32, #tpu.memory_space<vmem_shared>>
        tpu.wait_dma2 semaphore(%run_scoped3A : memref<!tpu.dma_semaphore, #tpu.memory_space<semaphore_mem>>) src(%dma_wait3A_21 : memref<640x128xf32, #tpu.memory_space<vmem_shared>>) dst(%dma_wait3A_19 : memref<640x128xf32, #tpu.memory_space<hbm>>)
        tpu.yield
      }) : () -> ()
    } else {
    }
    %eq3A_11 = arith.constant 1 : i32
    %eq3A_12 = arith.cmpi eq, %arg0, %eq3A_11 : i32
    %convert_element_type3A_13 = arith.extui %eq3A_12 : i1 to i32
    %cond3A_14 = arith.constant 0 : i32
    %cond3A_15 = arith.cmpi ne, %convert_element_type3A_13, %cond3A_14 : i32
    scf.if %cond3A_15 {
      "tpu.region"() ({
        %run_scoped3A = tpu.sem_alloc : memref<!tpu.dma_semaphore, #tpu.memory_space<semaphore_mem>>
        %dma_start3A = arith.constant 0 : i32
        %dma_start3A_16 = tpu.memref_slice %arg6[%mul3A_2, %dma_start3A] : memref<10240x128xf32, #tpu.memory_space<hbm>> -> memref<640x128xf32, #tpu.memory_space<hbm>>
        %dma_start3A_17 = arith.constant 0 : i32
        %dma_start3A_18 = tpu.memref_slice %arg10[%mul3A_2, %dma_start3A_17] : memref<10240x128xf32, #tpu.memory_space<vmem_shared>> -> memref<640x128xf32, #tpu.memory_space<vmem_shared>>
        tpu.enqueue_dma source(%dma_start3A_18 : memref<640x128xf32, #tpu.memory_space<vmem_shared>>) target(%dma_start3A_16 : memref<640x128xf32, #tpu.memory_space<hbm>>) target_semaphore(%run_scoped3A : memref<!tpu.dma_semaphore, #tpu.memory_space<semaphore_mem>>)
        %dma_wait3A = arith.constant 0 : i32
        %dma_wait3A_19 = tpu.memref_slice %arg6[%mul3A_2, %dma_wait3A] : memref<10240x128xf32, #tpu.memory_space<hbm>> -> memref<640x128xf32, #tpu.memory_space<hbm>>
        %dma_wait3A_20 = arith.constant 0 : i32
        %dma_wait3A_21 = tpu.memref_slice %arg10[%mul3A_2, %dma_wait3A_20] : memref<10240x128xf32, #tpu.memory_space<vmem_shared>> -> memref<640x128xf32, #tpu.memory_space<vmem_shared>>
        tpu.wait_dma2 semaphore(%run_scoped3A : memref<!tpu.dma_semaphore, #tpu.memory_space<semaphore_mem>>) src(%dma_wait3A_21 : memref<640x128xf32, #tpu.memory_space<vmem_shared>>) dst(%dma_wait3A_19 : memref<640x128xf32, #tpu.memory_space<hbm>>)
        tpu.yield
      }) : () -> ()
    } else {
    }
    return
  }
}

#map = affine_map<(d0, d1) -> (0, 0, 0)>
#map1 = affine_map<(d0, d1) -> (0, 0)>
module attributes {stable_mosaic.version = 14 : i64} {
  func.func @_agg_body(%arg0: i32, %arg1: i32, %arg2: memref<32x79x128xi32, #tpu.memory_space<hbm>>, %arg3: memref<32x79x128xi32, #tpu.memory_space<hbm>>, %arg4: memref<10240x128xf32, #tpu.memory_space<hbm>>, %arg5: memref<10240x128xf32, #tpu.memory_space<hbm>>, %arg6: memref<10240x128xf32, #tpu.memory_space<hbm>>, %arg7: memref<79x128xi32, #tpu.memory_space<vmem>>, %arg8: memref<79x128xi32, #tpu.memory_space<vmem>>, %arg9: memref<128x128xf32, #tpu.memory_space<vmem>>, %arg10: memref<10240x128xf32, #tpu.memory_space<vmem_shared>>, %arg11: memref<!tpu.dma_semaphore, #tpu.memory_space<semaphore_mem>>) attributes {dimension_semantics = [#tpu.dimension_semantics<core_parallel>, #tpu.dimension_semantics<subcore_parallel>], iteration_bounds = array<i64: 2, 16>, scalar_prefetch = 0 : i64, scratch_operands = 5 : i64, tpu.core_type = #tpu.core_type<sc_vector_subcore>, window_params = [{transform_indices = #map}, {transform_indices = #map}, {transform_indices = #map1}, {transform_indices = #map1}, {transform_indices = #map1}]} {
    %mul3A = arith.constant 16 : i32
    %mul3A_0 = arith.muli %arg0, %mul3A : i32
    %add3A = arith.addi %mul3A_0, %arg1 : i32
    %mul3A_1 = arith.constant 640 : i32
    %mul3A_2 = arith.muli %arg1, %mul3A_1 : i32
    "tpu.region"() ({
      %run_scoped3A = tpu.sem_alloc : memref<!tpu.dma_semaphore, #tpu.memory_space<semaphore_mem>>
      %dma_start3A = arith.constant 0 : i32
      %dma_start3A_16 = tpu.memref_slice %arg10[%mul3A_2, %dma_start3A] : memref<10240x128xf32, #tpu.memory_space<vmem_shared>> -> memref<640x128xf32, #tpu.memory_space<vmem_shared>>
      %dma_start3A_17 = arith.constant 0 : i32
      %dma_start3A_18 = tpu.memref_slice %arg4[%mul3A_2, %dma_start3A_17] : memref<10240x128xf32, #tpu.memory_space<hbm>> -> memref<640x128xf32, #tpu.memory_space<hbm>>
      tpu.enqueue_dma source(%dma_start3A_18 : memref<640x128xf32, #tpu.memory_space<hbm>>) target(%dma_start3A_16 : memref<640x128xf32, #tpu.memory_space<vmem_shared>>) target_semaphore(%run_scoped3A : memref<!tpu.dma_semaphore, #tpu.memory_space<semaphore_mem>>)
      %dma_wait3A = arith.constant 0 : i32
      %dma_wait3A_19 = tpu.memref_slice %arg10[%mul3A_2, %dma_wait3A] : memref<10240x128xf32, #tpu.memory_space<vmem_shared>> -> memref<640x128xf32, #tpu.memory_space<vmem_shared>>
      %dma_wait3A_20 = arith.constant 0 : i32
      %dma_wait3A_21 = tpu.memref_slice %arg4[%mul3A_2, %dma_wait3A_20] : memref<10240x128xf32, #tpu.memory_space<hbm>> -> memref<640x128xf32, #tpu.memory_space<hbm>>
      tpu.wait_dma2 semaphore(%run_scoped3A : memref<!tpu.dma_semaphore, #tpu.memory_space<semaphore_mem>>) src(%dma_wait3A_21 : memref<640x128xf32, #tpu.memory_space<hbm>>) dst(%dma_wait3A_19 : memref<640x128xf32, #tpu.memory_space<vmem_shared>>)
      tpu.yield
    }) : () -> ()
    "tpu.region"() ({
      %run_scoped3A = tpu.sem_alloc : memref<!tpu.dma_semaphore, #tpu.memory_space<semaphore_mem>>
      %dma_start3A = arith.constant 0 : i32
      %dma_start3A_16 = arith.constant 0 : i32
      %dma_start3A_17 = tpu.memref_slice %arg2[%add3A, %dma_start3A, %dma_start3A_16] : memref<32x79x128xi32, #tpu.memory_space<hbm>> -> memref<1x79x128xi32, #tpu.memory_space<hbm>>
      %dma_start3A_18 = tpu.memref_squeeze %dma_start3A_17 : memref<1x79x128xi32, #tpu.memory_space<hbm>> -> memref<79x128xi32, #tpu.memory_space<hbm>>
      %dma_start3A_19 = arith.constant 0 : i32
      %dma_start3A_20 = arith.constant 0 : i32
      %dma_start3A_21 = tpu.memref_slice %arg2[%add3A, %dma_start3A_19, %dma_start3A_20] : memref<32x79x128xi32, #tpu.memory_space<hbm>> -> memref<1x79x128xi32, #tpu.memory_space<hbm>>
      %dma_start3A_22 = tpu.memref_squeeze %dma_start3A_21 : memref<1x79x128xi32, #tpu.memory_space<hbm>> -> memref<79x128xi32, #tpu.memory_space<hbm>>
      tpu.enqueue_dma source(%dma_start3A_22 : memref<79x128xi32, #tpu.memory_space<hbm>>) target(%arg7 : memref<79x128xi32, #tpu.memory_space<vmem>>) target_semaphore(%run_scoped3A : memref<!tpu.dma_semaphore, #tpu.memory_space<semaphore_mem>>)
      %dma_wait3A = arith.constant 0 : i32
      %dma_wait3A_23 = arith.constant 0 : i32
      %dma_wait3A_24 = tpu.memref_slice %arg2[%add3A, %dma_wait3A, %dma_wait3A_23] : memref<32x79x128xi32, #tpu.memory_space<hbm>> -> memref<1x79x128xi32, #tpu.memory_space<hbm>>
      %dma_wait3A_25 = tpu.memref_squeeze %dma_wait3A_24 : memref<1x79x128xi32, #tpu.memory_space<hbm>> -> memref<79x128xi32, #tpu.memory_space<hbm>>
      %dma_wait3A_26 = arith.constant 0 : i32
      %dma_wait3A_27 = arith.constant 0 : i32
      %dma_wait3A_28 = tpu.memref_slice %arg2[%add3A, %dma_wait3A_26, %dma_wait3A_27] : memref<32x79x128xi32, #tpu.memory_space<hbm>> -> memref<1x79x128xi32, #tpu.memory_space<hbm>>
      %dma_wait3A_29 = tpu.memref_squeeze %dma_wait3A_28 : memref<1x79x128xi32, #tpu.memory_space<hbm>> -> memref<79x128xi32, #tpu.memory_space<hbm>>
      tpu.wait_dma2 semaphore(%run_scoped3A : memref<!tpu.dma_semaphore, #tpu.memory_space<semaphore_mem>>) src(%dma_wait3A_29 : memref<79x128xi32, #tpu.memory_space<hbm>>) dst(%arg7 : memref<79x128xi32, #tpu.memory_space<vmem>>)
      tpu.yield
    }) : () -> ()
    "tpu.region"() ({
      %run_scoped3A = tpu.sem_alloc : memref<!tpu.dma_semaphore, #tpu.memory_space<semaphore_mem>>
      %dma_start3A = arith.constant 0 : i32
      %dma_start3A_16 = arith.constant 0 : i32
      %dma_start3A_17 = tpu.memref_slice %arg3[%add3A, %dma_start3A, %dma_start3A_16] : memref<32x79x128xi32, #tpu.memory_space<hbm>> -> memref<1x79x128xi32, #tpu.memory_space<hbm>>
      %dma_start3A_18 = tpu.memref_squeeze %dma_start3A_17 : memref<1x79x128xi32, #tpu.memory_space<hbm>> -> memref<79x128xi32, #tpu.memory_space<hbm>>
      %dma_start3A_19 = arith.constant 0 : i32
      %dma_start3A_20 = arith.constant 0 : i32
      %dma_start3A_21 = tpu.memref_slice %arg3[%add3A, %dma_start3A_19, %dma_start3A_20] : memref<32x79x128xi32, #tpu.memory_space<hbm>> -> memref<1x79x128xi32, #tpu.memory_space<hbm>>
      %dma_start3A_22 = tpu.memref_squeeze %dma_start3A_21 : memref<1x79x128xi32, #tpu.memory_space<hbm>> -> memref<79x128xi32, #tpu.memory_space<hbm>>
      tpu.enqueue_dma source(%dma_start3A_22 : memref<79x128xi32, #tpu.memory_space<hbm>>) target(%arg8 : memref<79x128xi32, #tpu.memory_space<vmem>>) target_semaphore(%run_scoped3A : memref<!tpu.dma_semaphore, #tpu.memory_space<semaphore_mem>>)
      %dma_wait3A = arith.constant 0 : i32
      %dma_wait3A_23 = arith.constant 0 : i32
      %dma_wait3A_24 = tpu.memref_slice %arg3[%add3A, %dma_wait3A, %dma_wait3A_23] : memref<32x79x128xi32, #tpu.memory_space<hbm>> -> memref<1x79x128xi32, #tpu.memory_space<hbm>>
      %dma_wait3A_25 = tpu.memref_squeeze %dma_wait3A_24 : memref<1x79x128xi32, #tpu.memory_space<hbm>> -> memref<79x128xi32, #tpu.memory_space<hbm>>
      %dma_wait3A_26 = arith.constant 0 : i32
      %dma_wait3A_27 = arith.constant 0 : i32
      %dma_wait3A_28 = tpu.memref_slice %arg3[%add3A, %dma_wait3A_26, %dma_wait3A_27] : memref<32x79x128xi32, #tpu.memory_space<hbm>> -> memref<1x79x128xi32, #tpu.memory_space<hbm>>
      %dma_wait3A_29 = tpu.memref_squeeze %dma_wait3A_28 : memref<1x79x128xi32, #tpu.memory_space<hbm>> -> memref<79x128xi32, #tpu.memory_space<hbm>>
      tpu.wait_dma2 semaphore(%run_scoped3A : memref<!tpu.dma_semaphore, #tpu.memory_space<semaphore_mem>>) src(%dma_wait3A_29 : memref<79x128xi32, #tpu.memory_space<hbm>>) dst(%arg8 : memref<79x128xi32, #tpu.memory_space<vmem>>)
      tpu.yield
    }) : () -> ()
    %barrier3A = arith.constant 0 : index
    tpu.barrier barrier_id(%barrier3A)
    %scan3A = arith.constant 0 : i32
    %scan3A_3 = arith.constant 0 : i32
    %scan3A_4 = arith.constant 79 : i32
    %scan3A_5 = arith.addi %scan3A_3, %scan3A_4 : i32
    %scan3A_6 = arith.constant 1 : i32
    scf.for %scan3A_16 = %scan3A_3 to %scan3A_5 step %scan3A_6  : i32 {
      %dma_start3A = arith.constant 0 : i32
      %dma_start3A_17 = tpu.memref_slice %arg7[%scan3A_16, %dma_start3A] : memref<79x128xi32, #tpu.memory_space<vmem>> -> memref<1x128xi32, #tpu.memory_space<vmem>>
      %dma_start3A_18 = tpu.memref_squeeze %dma_start3A_17 : memref<1x128xi32, #tpu.memory_space<vmem>> -> memref<128xi32, #tpu.memory_space<vmem>>
      %dma_start3A_19 = arith.constant 0 : i32
      %dma_start3A_20 = arith.constant 0 : i32
      %dma_start3A_21 = tpu.memref_slice %arg4[%dma_start3A_19, %dma_start3A_20] : memref<10240x128xf32, #tpu.memory_space<hbm>> -> memref<10240x128xf32, #tpu.memory_space<hbm>>
      tpu.enqueue_indirect_dma source(%dma_start3A_21 : memref<10240x128xf32, #tpu.memory_space<hbm>>) target(%arg9 : memref<128x128xf32, #tpu.memory_space<vmem>>) offsets(%dma_start3A_18 : memref<128xi32, #tpu.memory_space<vmem>>) semaphore(%arg11 : memref<!tpu.dma_semaphore, #tpu.memory_space<semaphore_mem>>)
      %dma_wait3A = arith.constant 0 : i32
      %dma_wait3A_22 = tpu.memref_slice %arg7[%scan3A_16, %dma_wait3A] : memref<79x128xi32, #tpu.memory_space<vmem>> -> memref<1x128xi32, #tpu.memory_space<vmem>>
      %dma_wait3A_23 = tpu.memref_squeeze %dma_wait3A_22 : memref<1x128xi32, #tpu.memory_space<vmem>> -> memref<128xi32, #tpu.memory_space<vmem>>
      %dma_wait3A_24 = arith.constant 0 : i32
      %dma_wait3A_25 = arith.constant 0 : i32
      %dma_wait3A_26 = tpu.memref_slice %arg4[%dma_wait3A_24, %dma_wait3A_25] : memref<10240x128xf32, #tpu.memory_space<hbm>> -> memref<10240x128xf32, #tpu.memory_space<hbm>>
      tpu.wait_indirect_dma semaphore(%arg11 : memref<!tpu.dma_semaphore, #tpu.memory_space<semaphore_mem>>) src(%dma_wait3A_26 : memref<10240x128xf32, #tpu.memory_space<hbm>>) dst(%arg9 : memref<128x128xf32, #tpu.memory_space<vmem>>)
      "tpu.region"() ({
        %run_scoped3A = tpu.sem_alloc : memref<!tpu.dma_semaphore, #tpu.memory_space<semaphore_mem>>
        %dma_start3A_27 = arith.constant 0 : i32
        %dma_start3A_28 = tpu.memref_slice %arg8[%scan3A_16, %dma_start3A_27] : memref<79x128xi32, #tpu.memory_space<vmem>> -> memref<1x128xi32, #tpu.memory_space<vmem>>
        %dma_start3A_29 = tpu.memref_squeeze %dma_start3A_28 : memref<1x128xi32, #tpu.memory_space<vmem>> -> memref<128xi32, #tpu.memory_space<vmem>>
        %dma_start3A_30 = arith.constant 0 : i32
        %dma_start3A_31 = arith.constant 0 : i32
        %dma_start3A_32 = tpu.memref_slice %arg10[%dma_start3A_30, %dma_start3A_31] : memref<10240x128xf32, #tpu.memory_space<vmem_shared>> -> memref<10240x128xf32, #tpu.memory_space<vmem_shared>>
        tpu.enqueue_indirect_dma source(%arg9 : memref<128x128xf32, #tpu.memory_space<vmem>>) target(%dma_start3A_32 : memref<10240x128xf32, #tpu.memory_space<vmem_shared>>) offsets(%dma_start3A_29 : memref<128xi32, #tpu.memory_space<vmem>>) semaphore(%run_scoped3A : memref<!tpu.dma_semaphore, #tpu.memory_space<semaphore_mem>>) {add = true}
        %dma_wait3A_33 = arith.constant 0 : i32
        %dma_wait3A_34 = tpu.memref_slice %arg8[%scan3A_16, %dma_wait3A_33] : memref<79x128xi32, #tpu.memory_space<vmem>> -> memref<1x128xi32, #tpu.memory_space<vmem>>
        %dma_wait3A_35 = tpu.memref_squeeze %dma_wait3A_34 : memref<1x128xi32, #tpu.memory_space<vmem>> -> memref<128xi32, #tpu.memory_space<vmem>>
        %dma_wait3A_36 = arith.constant 0 : i32
        %dma_wait3A_37 = arith.constant 0 : i32
        %dma_wait3A_38 = tpu.memref_slice %arg10[%dma_wait3A_36, %dma_wait3A_37] : memref<10240x128xf32, #tpu.memory_space<vmem_shared>> -> memref<10240x128xf32, #tpu.memory_space<vmem_shared>>
        tpu.wait_indirect_dma semaphore(%run_scoped3A : memref<!tpu.dma_semaphore, #tpu.memory_space<semaphore_mem>>) src(%arg9 : memref<128x128xf32, #tpu.memory_space<vmem>>) dst(%dma_wait3A_38 : memref<10240x128xf32, #tpu.memory_space<vmem_shared>>)
        tpu.yield
      }) : () -> ()
    }
    %scan3A_7 = arith.constant 79 : i32
    %barrier3A_8 = arith.constant 0 : index
    tpu.barrier barrier_id(%barrier3A_8)
    %eq3A = arith.constant 0 : i32
    %eq3A_9 = arith.cmpi eq, %arg0, %eq3A : i32
    %convert_element_type3A = arith.extui %eq3A_9 : i1 to i32
    %cond3A = arith.constant 0 : i32
    %cond3A_10 = arith.cmpi ne, %convert_element_type3A, %cond3A : i32
    scf.if %cond3A_10 {
      "tpu.region"() ({
        %run_scoped3A = tpu.sem_alloc : memref<!tpu.dma_semaphore, #tpu.memory_space<semaphore_mem>>
        %dma_start3A = arith.constant 0 : i32
        %dma_start3A_16 = tpu.memref_slice %arg5[%mul3A_2, %dma_start3A] : memref<10240x128xf32, #tpu.memory_space<hbm>> -> memref<640x128xf32, #tpu.memory_space<hbm>>
        %dma_start3A_17 = arith.constant 0 : i32
        %dma_start3A_18 = tpu.memref_slice %arg10[%mul3A_2, %dma_start3A_17] : memref<10240x128xf32, #tpu.memory_space<vmem_shared>> -> memref<640x128xf32, #tpu.memory_space<vmem_shared>>
        tpu.enqueue_dma source(%dma_start3A_18 : memref<640x128xf32, #tpu.memory_space<vmem_shared>>) target(%dma_start3A_16 : memref<640x128xf32, #tpu.memory_space<hbm>>) target_semaphore(%run_scoped3A : memref<!tpu.dma_semaphore, #tpu.memory_space<semaphore_mem>>)
        %dma_wait3A = arith.constant 0 : i32
        %dma_wait3A_19 = tpu.memref_slice %arg5[%mul3A_2, %dma_wait3A] : memref<10240x128xf32, #tpu.memory_space<hbm>> -> memref<640x128xf32, #tpu.memory_space<hbm>>
        %dma_wait3A_20 = arith.constant 0 : i32
        %dma_wait3A_21 = tpu.memref_slice %arg10[%mul3A_2, %dma_wait3A_20] : memref<10240x128xf32, #tpu.memory_space<vmem_shared>> -> memref<640x128xf32, #tpu.memory_space<vmem_shared>>
        tpu.wait_dma2 semaphore(%run_scoped3A : memref<!tpu.dma_semaphore, #tpu.memory_space<semaphore_mem>>) src(%dma_wait3A_21 : memref<640x128xf32, #tpu.memory_space<vmem_shared>>) dst(%dma_wait3A_19 : memref<640x128xf32, #tpu.memory_space<hbm>>)
        tpu.yield
      }) : () -> ()
    } else {
    }
    %eq3A_11 = arith.constant 1 : i32
    %eq3A_12 = arith.cmpi eq, %arg0, %eq3A_11 : i32
    %convert_element_type3A_13 = arith.extui %eq3A_12 : i1 to i32
    %cond3A_14 = arith.constant 0 : i32
    %cond3A_15 = arith.cmpi ne, %convert_element_type3A_13, %cond3A_14 : i32
    scf.if %cond3A_15 {
      "tpu.region"() ({
        %run_scoped3A = tpu.sem_alloc : memref<!tpu.dma_semaphore, #tpu.memory_space<semaphore_mem>>
        %dma_start3A = arith.constant 0 : i32
        %dma_start3A_16 = tpu.memref_slice %arg6[%mul3A_2, %dma_start3A] : memref<10240x128xf32, #tpu.memory_space<hbm>> -> memref<640x128xf32, #tpu.memory_space<hbm>>
        %dma_start3A_17 = arith.constant 0 : i32
        %dma_start3A_18 = tpu.memref_slice %arg10[%mul3A_2, %dma_start3A_17] : memref<10240x128xf32, #tpu.memory_space<vmem_shared>> -> memref<640x128xf32, #tpu.memory_space<vmem_shared>>
        tpu.enqueue_dma source(%dma_start3A_18 : memref<640x128xf32, #tpu.memory_space<vmem_shared>>) target(%dma_start3A_16 : memref<640x128xf32, #tpu.memory_space<hbm>>) target_semaphore(%run_scoped3A : memref<!tpu.dma_semaphore, #tpu.memory_space<semaphore_mem>>)
        %dma_wait3A = arith.constant 0 : i32
        %dma_wait3A_19 = tpu.memref_slice %arg6[%mul3A_2, %dma_wait3A] : memref<10240x128xf32, #tpu.memory_space<hbm>> -> memref<640x128xf32, #tpu.memory_space<hbm>>
        %dma_wait3A_20 = arith.constant 0 : i32
        %dma_wait3A_21 = tpu.memref_slice %arg10[%mul3A_2, %dma_wait3A_20] : memref<10240x128xf32, #tpu.memory_space<vmem_shared>> -> memref<640x128xf32, #tpu.memory_space<vmem_shared>>
        tpu.wait_dma2 semaphore(%run_scoped3A : memref<!tpu.dma_semaphore, #tpu.memory_space<semaphore_mem>>) src(%dma_wait3A_21 : memref<640x128xf32, #tpu.memory_space<vmem_shared>>) dst(%dma_wait3A_19 : memref<640x128xf32, #tpu.memory_space<hbm>>)
        tpu.yield
      }) : () -> ()
    } else {
    }
    return
  }
}

module attributes {stable_mosaic.version = 14 : i64} {
  func.func @_tc_first_body(%arg0: memref<10240x1xf32, #tpu.memory_space<vmem>>, %arg1: memref<10240x1xf32, #tpu.memory_space<vmem>>, %arg2: memref<10240x128xf32, #tpu.memory_space<vmem>>, %arg3: memref<128x128xf32, #tpu.memory_space<vmem>>, %arg4: memref<10240x1xf32, #tpu.memory_space<vmem>>, %arg5: memref<10240x128xf32, #tpu.memory_space<vmem>>) attributes {dimension_semantics = [], scalar_prefetch = 0 : i64, scratch_operands = 0 : i64, tpu.core_type = #tpu.core_type<tc>} {
    %get3A = arith.constant 0 : index
    %get3A_0 = arith.constant 0 : index
    %get3A_1 = vector.load %arg0[%get3A, %get3A_0] : memref<10240x1xf32, #tpu.memory_space<vmem>>, vector<10240x1xf32>
    %get3A_2 = arith.constant 0 : index
    %get3A_3 = arith.constant 0 : index
    %get3A_4 = vector.load %arg1[%get3A_2, %get3A_3] : memref<10240x1xf32, #tpu.memory_space<vmem>>, vector<10240x1xf32>
    %add3A = arith.addf %get3A_1, %get3A_4 : vector<10240x1xf32>
    %add3A_5 = arith.constant 1.000000e+00 : f32
    %add3A_6 = vector.broadcast %add3A_5 : f32 to vector<10240x1xf32>
    %add3A_7 = arith.addf %add3A, %add3A_6 : vector<10240x1xf32>
    %rsqrt3A = math.rsqrt %add3A_7 : vector<10240x1xf32>
    %swap3A = arith.constant 0 : index
    %swap3A_8 = arith.constant 0 : index
    %swap3A_9 = vector.load %arg4[%swap3A, %swap3A_8] : memref<10240x1xf32, #tpu.memory_space<vmem>>, vector<10240x1xf32>
    tpu.vector_store %arg4[%swap3A, %swap3A_8], %rsqrt3A {strides = array<i32>} : memref<10240x1xf32, #tpu.memory_space<vmem>>, vector<10240x1xf32>,
    %get3A_10 = arith.constant 0 : index
    %get3A_11 = arith.constant 0 : index
    %get3A_12 = vector.load %arg2[%get3A_10, %get3A_11] : memref<10240x128xf32, #tpu.memory_space<vmem>>, vector<10240x128xf32>
    %get3A_13 = arith.constant 0 : index
    %get3A_14 = arith.constant 0 : index
    %get3A_15 = vector.load %arg3[%get3A_13, %get3A_14] : memref<128x128xf32, #tpu.memory_space<vmem>>, vector<128x128xf32>
    %dot_general3A = arith.constant dense<0.000000e+00> : vector<10240x128xf32>
    %dot_general3A_16 = tpu.matmul %get3A_12, %get3A_15, %dot_general3A {dimension_numbers = #tpu.dot_dimension_numbers<[1], [0], [0], [1], [0, 0, 1, 1], [], []>, transpose_lhs_hint = false} : vector<10240x128xf32>, vector<128x128xf32>, vector<10240x128xf32> -> vector<10240x128xf32>
    %mul3A = vector.broadcast %rsqrt3A : vector<10240x1xf32> to vector<10240x128xf32>
    %mul3A_17 = arith.mulf %dot_general3A_16, %mul3A : vector<10240x128xf32>
    %swap3A_18 = arith.constant 0 : index
    %swap3A_19 = arith.constant 0 : index
    %swap3A_20 = vector.load %arg5[%swap3A_18, %swap3A_19] : memref<10240x128xf32, #tpu.memory_space<vmem>>, vector<10240x128xf32>
    tpu.vector_store %arg5[%swap3A_18, %swap3A_19], %mul3A_17 {strides = array<i32>} : memref<10240x128xf32, #tpu.memory_space<vmem>>, vector<10240x128xf32>,
    return
  }
}

module attributes {stable_mosaic.version = 14 : i64} {
  func.func @_tc_mid_body(%arg0: memref<10240x128xf32, #tpu.memory_space<vmem>>, %arg1: memref<10240x128xf32, #tpu.memory_space<vmem>>, %arg2: memref<10240x128xf32, #tpu.memory_space<vmem>>, %arg3: memref<10240x1xf32, #tpu.memory_space<vmem>>, %arg4: memref<1x128xf32, #tpu.memory_space<vmem>>, %arg5: memref<128x128xf32, #tpu.memory_space<vmem>>, %arg6: memref<10240x128xf32, #tpu.memory_space<vmem>>) attributes {dimension_semantics = [], scalar_prefetch = 0 : i64, scratch_operands = 0 : i64, tpu.core_type = #tpu.core_type<tc>} {
    %get3A = arith.constant 0 : index
    %get3A_0 = arith.constant 0 : index
    %get3A_1 = vector.load %arg3[%get3A, %get3A_0] : memref<10240x1xf32, #tpu.memory_space<vmem>>, vector<10240x1xf32>
    %get3A_2 = arith.constant 0 : index
    %get3A_3 = arith.constant 0 : index
    %get3A_4 = vector.load %arg0[%get3A_2, %get3A_3] : memref<10240x128xf32, #tpu.memory_space<vmem>>, vector<10240x128xf32>
    %get3A_5 = arith.constant 0 : index
    %get3A_6 = arith.constant 0 : index
    %get3A_7 = vector.load %arg1[%get3A_5, %get3A_6] : memref<10240x128xf32, #tpu.memory_space<vmem>>, vector<10240x128xf32>
    %add3A = arith.addf %get3A_4, %get3A_7 : vector<10240x128xf32>
    %get3A_8 = arith.constant 0 : index
    %get3A_9 = arith.constant 0 : index
    %get3A_10 = vector.load %arg2[%get3A_8, %get3A_9] : memref<10240x128xf32, #tpu.memory_space<vmem>>, vector<10240x128xf32>
    %sub3A = arith.subf %add3A, %get3A_10 : vector<10240x128xf32>
    %mul3A = vector.broadcast %get3A_1 : vector<10240x1xf32> to vector<10240x128xf32>
    %mul3A_11 = arith.mulf %sub3A, %mul3A : vector<10240x128xf32>
    %get3A_12 = arith.constant 0 : index
    %get3A_13 = arith.constant 0 : index
    %get3A_14 = vector.load %arg4[%get3A_12, %get3A_13] : memref<1x128xf32, #tpu.memory_space<vmem>>, vector<1x128xf32>
    %add3A_15 = vector.broadcast %get3A_14 : vector<1x128xf32> to vector<10240x128xf32>
    %add3A_16 = arith.addf %mul3A_11, %add3A_15 : vector<10240x128xf32>
    %max3A = arith.constant 0.000000e+00 : f32
    %max3A_17 = vector.broadcast %max3A : f32 to vector<10240x128xf32>
    %max3A_18 = arith.maximumf %add3A_16, %max3A_17 : vector<10240x128xf32>
    %get3A_19 = arith.constant 0 : index
    %get3A_20 = arith.constant 0 : index
    %get3A_21 = vector.load %arg5[%get3A_19, %get3A_20] : memref<128x128xf32, #tpu.memory_space<vmem>>, vector<128x128xf32>
    %dot_general3A = arith.constant dense<0.000000e+00> : vector<10240x128xf32>
    %dot_general3A_22 = tpu.matmul %max3A_18, %get3A_21, %dot_general3A {dimension_numbers = #tpu.dot_dimension_numbers<[1], [0], [0], [1], [0, 0, 1, 1], [], []>, transpose_lhs_hint = false} : vector<10240x128xf32>, vector<128x128xf32>, vector<10240x128xf32> -> vector<10240x128xf32>
    %mul3A_23 = vector.broadcast %get3A_1 : vector<10240x1xf32> to vector<10240x128xf32>
    %mul3A_24 = arith.mulf %dot_general3A_22, %mul3A_23 : vector<10240x128xf32>
    %swap3A = arith.constant 0 : index
    %swap3A_25 = arith.constant 0 : index
    %swap3A_26 = vector.load %arg6[%swap3A, %swap3A_25] : memref<10240x128xf32, #tpu.memory_space<vmem>>, vector<10240x128xf32>
    tpu.vector_store %arg6[%swap3A, %swap3A_25], %mul3A_24 {strides = array<i32>} : memref<10240x128xf32, #tpu.memory_space<vmem>>, vector<10240x128xf32>,
    return
  }
}

module attributes {stable_mosaic.version = 14 : i64} {
  func.func @_tc_final_body(%arg0: memref<10240x128xf32, #tpu.memory_space<vmem>>, %arg1: memref<10240x128xf32, #tpu.memory_space<vmem>>, %arg2: memref<10240x128xf32, #tpu.memory_space<vmem>>, %arg3: memref<10240x1xf32, #tpu.memory_space<vmem>>, %arg4: memref<1x128xf32, #tpu.memory_space<vmem>>, %arg5: memref<128x128xf32, #tpu.memory_space<vmem>>, %arg6: memref<1x128xf32, #tpu.memory_space<vmem>>, %arg7: memref<128x1xf32, #tpu.memory_space<vmem>>, %arg8: memref<1x1xf32, #tpu.memory_space<vmem>>, %arg9: memref<128x128xf32, #tpu.memory_space<vmem>>, %arg10: memref<1x128xf32, #tpu.memory_space<vmem>>, %arg11: memref<128x10xf32, #tpu.memory_space<vmem>>, %arg12: memref<1x10xf32, #tpu.memory_space<vmem>>, %arg13: memref<10000x1xi32, #tpu.memory_space<vmem>>, %arg14: memref<64x10xf32, #tpu.memory_space<vmem>>) attributes {dimension_semantics = [], scalar_prefetch = 0 : i64, scratch_operands = 0 : i64, tpu.core_type = #tpu.core_type<tc>} {
    %get3A = arith.constant 0 : index
    %get3A_0 = arith.constant 0 : index
    %get3A_1 = vector.load %arg0[%get3A, %get3A_0] : memref<10240x128xf32, #tpu.memory_space<vmem>>, vector<10240x128xf32>
    %get3A_2 = arith.constant 0 : index
    %get3A_3 = arith.constant 0 : index
    %get3A_4 = vector.load %arg1[%get3A_2, %get3A_3] : memref<10240x128xf32, #tpu.memory_space<vmem>>, vector<10240x128xf32>
    %add3A = arith.addf %get3A_1, %get3A_4 : vector<10240x128xf32>
    %get3A_5 = arith.constant 0 : index
    %get3A_6 = arith.constant 0 : index
    %get3A_7 = vector.load %arg2[%get3A_5, %get3A_6] : memref<10240x128xf32, #tpu.memory_space<vmem>>, vector<10240x128xf32>
    %sub3A = arith.subf %add3A, %get3A_7 : vector<10240x128xf32>
    %get3A_8 = arith.constant 0 : index
    %get3A_9 = arith.constant 0 : index
    %get3A_10 = vector.load %arg3[%get3A_8, %get3A_9] : memref<10240x1xf32, #tpu.memory_space<vmem>>, vector<10240x1xf32>
    %mul3A = vector.broadcast %get3A_10 : vector<10240x1xf32> to vector<10240x128xf32>
    %mul3A_11 = arith.mulf %sub3A, %mul3A : vector<10240x128xf32>
    %get3A_12 = arith.constant 0 : index
    %get3A_13 = arith.constant 0 : index
    %get3A_14 = vector.load %arg4[%get3A_12, %get3A_13] : memref<1x128xf32, #tpu.memory_space<vmem>>, vector<1x128xf32>
    %add3A_15 = vector.broadcast %get3A_14 : vector<1x128xf32> to vector<10240x128xf32>
    %add3A_16 = arith.addf %mul3A_11, %add3A_15 : vector<10240x128xf32>
    %max3A = arith.constant 0.000000e+00 : f32
    %max3A_17 = vector.broadcast %max3A : f32 to vector<10240x128xf32>
    %max3A_18 = arith.maximumf %add3A_16, %max3A_17 : vector<10240x128xf32>
    %slice3A = vector.extract_strided_slice %max3A_18 {offsets = [0, 0], sizes = [10000, 128], strides = [1, 1]} : vector<10240x128xf32> to vector<10000x128xf32>
    %get3A_19 = arith.constant 0 : index
    %get3A_20 = arith.constant 0 : index
    %get3A_21 = vector.load %arg5[%get3A_19, %get3A_20] : memref<128x128xf32, #tpu.memory_space<vmem>>, vector<128x128xf32>
    %dot_general3A = arith.constant dense<0.000000e+00> : vector<10000x128xf32>
    %dot_general3A_22 = tpu.matmul %slice3A, %get3A_21, %dot_general3A {dimension_numbers = #tpu.dot_dimension_numbers<[1], [0], [0], [1], [0, 0, 1, 1], [], []>, transpose_lhs_hint = false} : vector<10000x128xf32>, vector<128x128xf32>, vector<10000x128xf32> -> vector<10000x128xf32>
    %get3A_23 = arith.constant 0 : index
    %get3A_24 = arith.constant 0 : index
    %get3A_25 = vector.load %arg6[%get3A_23, %get3A_24] : memref<1x128xf32, #tpu.memory_space<vmem>>, vector<1x128xf32>
    %add3A_26 = vector.broadcast %get3A_25 : vector<1x128xf32> to vector<10000x128xf32>
    %add3A_27 = arith.addf %dot_general3A_22, %add3A_26 : vector<10000x128xf32>
    %max3A_28 = arith.constant 0.000000e+00 : f32
    %max3A_29 = vector.broadcast %max3A_28 : f32 to vector<10000x128xf32>
    %max3A_30 = arith.maximumf %add3A_27, %max3A_29 : vector<10000x128xf32>
    %get3A_31 = arith.constant 0 : index
    %get3A_32 = arith.constant 0 : index
    %get3A_33 = vector.load %arg7[%get3A_31, %get3A_32] : memref<128x1xf32, #tpu.memory_space<vmem>>, vector<128x1xf32>
    %dot_general3A_34 = arith.constant dense<0.000000e+00> : vector<10000x1xf32>
    %dot_general3A_35 = tpu.matmul %max3A_30, %get3A_33, %dot_general3A_34 {dimension_numbers = #tpu.dot_dimension_numbers<[1], [0], [0], [1], [0, 0, 1, 1], [], []>, transpose_lhs_hint = false} : vector<10000x128xf32>, vector<128x1xf32>, vector<10000x1xf32> -> vector<10000x1xf32>
    %get3A_36 = arith.constant 0 : index
    %get3A_37 = arith.constant 0 : index
    %get3A_38 = vector.load %arg8[%get3A_36, %get3A_37] : memref<1x1xf32, #tpu.memory_space<vmem>>, vector<1x1xf32>
    %add3A_39 = vector.broadcast %get3A_38 : vector<1x1xf32> to vector<10000x1xf32>
    %add3A_40 = arith.addf %dot_general3A_35, %add3A_39 : vector<10000x1xf32>
    %iota3A = tpu.iota {dimensions = array<i32: 1>} : vector<10000x64xi32>
    %get3A_41 = arith.constant 0 : index
    %get3A_42 = arith.constant 0 : index
    %get3A_43 = vector.load %arg13[%get3A_41, %get3A_42] : memref<10000x1xi32, #tpu.memory_space<vmem>>, vector<10000x1xi32>
    %eq3A = vector.broadcast %get3A_43 : vector<10000x1xi32> to vector<10000x64xi32>
    %eq3A_44 = arith.cmpi eq, %iota3A, %eq3A : vector<10000x64xi32>
    %convert_element_type3A = arith.extui %eq3A_44 : vector<10000x64xi1> to vector<10000x64xi32>
    %convert_element_type3A_45 = arith.sitofp %convert_element_type3A : vector<10000x64xi32> to vector<10000x64xf32>
    %broadcast_in_dim3A = arith.constant 0xFF800000 : f32
    %broadcast_in_dim3A_46 = vector.broadcast %broadcast_in_dim3A : f32 to vector<10000x64xf32>
    %broadcast_in_dim3A_47 = vector.shape_cast %add3A_40 : vector<10000x1xf32> to vector<10000x1xf32>
    %broadcast_in_dim3A_48 = vector.broadcast %broadcast_in_dim3A_47 : vector<10000x1xf32> to vector<10000x64xf32>
    %select_n3A = arith.select %eq3A_44, %broadcast_in_dim3A_48, %broadcast_in_dim3A_46 : vector<10000x64xi1>, vector<10000x64xf32>
    %reduce_max3A = arith.constant dense<0xFF800000> : vector<64xf32>
    %reduce_max3A_49 = vector.multi_reduction <maximumf>, %select_n3A, %reduce_max3A [0] : vector<10000x64xf32> to vector<64xf32>
    %broadcast_in_dim3A_50 = vector.shape_cast %reduce_max3A_49 : vector<64xf32> to vector<1x64xf32>
    %is_finite3A = tpu.weird %broadcast_in_dim3A_50 : vector<1x64xf32> -> vector<1x64xi1>
    %is_finite3A_51 = arith.constant dense<true> : vector<1x64xi1>
    %is_finite3A_52 = arith.xori %is_finite3A, %is_finite3A_51 : vector<1x64xi1>
    %jit3A = arith.constant 0.000000e+00 : f32
    %broadcast_in_dim3A_53 = vector.broadcast %jit3A : f32 to vector<1x64xf32>
    %select_n3A_54 = arith.select %is_finite3A_52, %broadcast_in_dim3A_50, %broadcast_in_dim3A_53 : vector<1x64xi1>, vector<1x64xf32>
    %mul3A_55 = vector.broadcast %select_n3A_54 : vector<1x64xf32> to vector<10000x64xf32>
    %mul3A_56 = arith.mulf %convert_element_type3A_45, %mul3A_55 : vector<10000x64xf32>
    %reduce_sum3A = arith.constant dense<0.000000e+00> : vector<10000xf32>
    %reduce_sum3A_57 = vector.multi_reduction <add>, %mul3A_56, %reduce_sum3A [1] : vector<10000x64xf32> to vector<10000xf32>
    %broadcast_in_dim3A_58 = vector.shape_cast %reduce_sum3A_57 : vector<10000xf32> to vector<10000x1xf32>
    %sub3A_59 = arith.subf %add3A_40, %broadcast_in_dim3A_58 : vector<10000x1xf32>
    %exp3A = math.exp %sub3A_59 : vector<10000x1xf32>
    %mul3A_60 = vector.broadcast %exp3A : vector<10000x1xf32> to vector<10000x64xf32>
    %mul3A_61 = arith.mulf %convert_element_type3A_45, %mul3A_60 : vector<10000x64xf32>
    %reduce_sum3A_62 = arith.constant dense<0.000000e+00> : vector<64xf32>
    %reduce_sum3A_63 = vector.multi_reduction <add>, %mul3A_61, %reduce_sum3A_62 [0] : vector<10000x64xf32> to vector<64xf32>
    %broadcast_in_dim3A_64 = vector.shape_cast %reduce_sum3A_63 : vector<64xf32> to vector<1x64xf32>
    %mul3A_65 = vector.broadcast %broadcast_in_dim3A_64 : vector<1x64xf32> to vector<10000x64xf32>
    %mul3A_66 = arith.mulf %convert_element_type3A_45, %mul3A_65 : vector<10000x64xf32>
    %reduce_sum3A_67 = arith.constant dense<0.000000e+00> : vector<10000xf32>
    %reduce_sum3A_68 = vector.multi_reduction <add>, %mul3A_66, %reduce_sum3A_67 [1] : vector<10000x64xf32> to vector<10000xf32>
    %broadcast_in_dim3A_69 = vector.shape_cast %reduce_sum3A_68 : vector<10000xf32> to vector<10000x1xf32>
    %max3A_70 = arith.constant 1.000000e-16 : f32
    %max3A_71 = vector.broadcast %max3A_70 : f32 to vector<10000x1xf32>
    %max3A_72 = arith.maximumf %broadcast_in_dim3A_69, %max3A_71 : vector<10000x1xf32>
    %div3A = arith.divf %exp3A, %max3A_72 : vector<10000x1xf32>
    %mul3A_73 = vector.broadcast %div3A : vector<10000x1xf32> to vector<10000x64xf32>
    %mul3A_74 = arith.mulf %convert_element_type3A_45, %mul3A_73 : vector<10000x64xf32>
    %dot_general3A_75 = arith.constant dense<0.000000e+00> : vector<64x128xf32>
    %dot_general3A_76 = tpu.matmul %mul3A_74, %slice3A, %dot_general3A_75 {dimension_numbers = #tpu.dot_dimension_numbers<[0], [0], [1], [1], [0, 1, 1, 1], [], []>, transpose_lhs_hint = false} : vector<10000x64xf32>, vector<10000x128xf32>, vector<64x128xf32> -> vector<64x128xf32>
    %get3A_77 = arith.constant 0 : index
    %get3A_78 = arith.constant 0 : index
    %get3A_79 = vector.load %arg9[%get3A_77, %get3A_78] : memref<128x128xf32, #tpu.memory_space<vmem>>, vector<128x128xf32>
    %dot_general3A_80 = arith.constant dense<0.000000e+00> : vector<64x128xf32>
    %dot_general3A_81 = tpu.matmul %dot_general3A_76, %get3A_79, %dot_general3A_80 {dimension_numbers = #tpu.dot_dimension_numbers<[1], [0], [0], [1], [0, 0, 1, 1], [], []>, transpose_lhs_hint = false} : vector<64x128xf32>, vector<128x128xf32>, vector<64x128xf32> -> vector<64x128xf32>
    %get3A_82 = arith.constant 0 : index
    %get3A_83 = arith.constant 0 : index
    %get3A_84 = vector.load %arg10[%get3A_82, %get3A_83] : memref<1x128xf32, #tpu.memory_space<vmem>>, vector<1x128xf32>
    %add3A_85 = vector.broadcast %get3A_84 : vector<1x128xf32> to vector<64x128xf32>
    %add3A_86 = arith.addf %dot_general3A_81, %add3A_85 : vector<64x128xf32>
    %max3A_87 = arith.constant 0.000000e+00 : f32
    %max3A_88 = vector.broadcast %max3A_87 : f32 to vector<64x128xf32>
    %max3A_89 = arith.maximumf %add3A_86, %max3A_88 : vector<64x128xf32>
    %get3A_90 = arith.constant 0 : index
    %get3A_91 = arith.constant 0 : index
    %get3A_92 = vector.load %arg11[%get3A_90, %get3A_91] : memref<128x10xf32, #tpu.memory_space<vmem>>, vector<128x10xf32>
    %dot_general3A_93 = arith.constant dense<0.000000e+00> : vector<64x10xf32>
    %dot_general3A_94 = tpu.matmul %max3A_89, %get3A_92, %dot_general3A_93 {dimension_numbers = #tpu.dot_dimension_numbers<[1], [0], [0], [1], [0, 0, 1, 1], [], []>, transpose_lhs_hint = false} : vector<64x128xf32>, vector<128x10xf32>, vector<64x10xf32> -> vector<64x10xf32>
    %get3A_95 = arith.constant 0 : index
    %get3A_96 = arith.constant 0 : index
    %get3A_97 = vector.load %arg12[%get3A_95, %get3A_96] : memref<1x10xf32, #tpu.memory_space<vmem>>, vector<1x10xf32>
    %add3A_98 = vector.broadcast %get3A_97 : vector<1x10xf32> to vector<64x10xf32>
    %add3A_99 = arith.addf %dot_general3A_94, %add3A_98 : vector<64x10xf32>
    %swap3A = arith.constant 0 : index
    %swap3A_100 = arith.constant 0 : index
    %swap3A_101 = vector.load %arg14[%swap3A, %swap3A_100] : memref<64x10xf32, #tpu.memory_space<vmem>>, vector<64x10xf32>
    tpu.vector_store %arg14[%swap3A, %swap3A_100], %add3A_99 {strides = array<i32>} : memref<64x10xf32, #tpu.memory_space<vmem>>, vector<64x10xf32>,
    return
  }
}

</mosaic_0001>

<sc_bundles>
// kernel: kernel.10.cloned.1.call-start
scs
__scs_entry_jumppad:
0x0: {  	(pc) =	sbr.rel $0x88, $3  }
0x1: {  	(tag) =	ssettag $0x0;
	lr =	simm.s32 $0x1  }
0x2: {  	[smem:$0x3F90] =	sst lr;
	_ =	strace $0xD0000000  }
0x3: {  	_ = 	snop  }
0x4: {  	_ = 	snop  }
0x5: {  	_ = 	snop  }
0x6: {  	_ = 	snop  }
0x7: {  	_ = 	snop  }
__scs_overlays_trampoline_lowered:
0x8: {  	[smem:$0x3F9F] =	sst s0  }
0x9: {  	[smem:$0x3FA0] =	sst s1  }
0xa: {  	[smem:$0x3FA1] =	sst s2  }
0xb: {  	[smem:$0x3FA2] =	sst s3  }
0xc: {  	[smem:$0x3FA3] =	sst s4  }
0xd: {  	[smem:$0x3FA4] =	sst s5  }
0xe: {  	[smem:$0x3FA5] =	sst s6  }
0xf: {  	[smem:$0x3FA6] =	sst s7  }
0x10: {  	[smem:$0x3FA7] =	sst s8  }
0x11: {  	[smem:$0x3FA8] =	sst s9;
	s0 =	simm.s32 @!p0 $0x0  }
0x12: {  	s1 =	sld [smem:$0x3F8E];
	s0 =	simm.s32 @p0 $0x1  }
0x13: {  	[smem:$0x3FA9] =	sst s0;
	s0 =	simm.s32 @!p1 $0x0  }
0x14: {  	s2 =	sld [smem:$0x3F8D];
	s0 =	simm.s32 @p1 $0x1  }
0x15: {  	[smem:$0x3FAA] =	sst s0;
	s0 =	simm.s32 @!p2 $0x0  }
0x16: {  	s3 =	sld [smem:$0x3FDB];
	s0 =	simm.s32 @p2 $0x1  }
0x17: {  	s4 =	simm.s32 $0x1BF5;
	[smem:$0x3FAC] =	sst s0  }
0x18: {  	s0 =	sld [smem:$0x3F8F];
	_ =	swait.ge [sflag:s4], $0x0  }
0x19: {  	s7 =	sld [smem:$0x3F90]  }
0x1a: {  	s8 =	sadd.s32 $0xFFFFE003, lr  }
0x1b: {  	s9 =	sadd.s32 $0xFFFFFEF7, lr;
	s5 =	simm.s32 $0xFFFFFFFF;
	p2 =	slt.u32 s8, $0xFFFFF086  }
0x1c: {  	p1 =	slt.u32 s9, $0xF7A;
	s5 =	simm.s32 @!p2 $0x0  }
0x1d: {  	s5 =	simm.s32 @p1 $0x1;
	p0 =	seq.s32 s7, s2  }
0x1e: {  	s7 =	smul.u32 @!p0 $0xF7A, s2;
	p2 =	seq.s32 @!p0 s5, $0x0  }
0x1f: {  	s9 =	smul.u32 $0xF7A, s1;
	s8 =	simm.s32 @!p0 $0x1BF5;
	p2 =	por !p2, p0  }
0x20: {  	[sflag:s8] =	ssyncset.s32 @!p0 $0xFFFFF086;
	s6 =	sadd.s32 @!p0 s3, s7;
	s7 =	simm.s32 @!p0 $0x108  }
0x21: {  	s3 =	sadd.s32 s3, s9;
	s6 =	sadd.s32 @!p0 $0x88, s6;
	s7 =	simm.s32 @p2 $0x1082  }
0x22: {  	[simem:s7], [sflag:s8] =	dma.local @!p0 [hbm:s6], $0xF7A  }
0x23: {  	s9 =	sor.u32 $0xD0000000, s2;
	s6 =	simm.s32 $0x108;
	_ =	swait.ge @!p0 [sflag:s8], $0x0  }
0x24: {  	s3 =	sadd.s32 $0x88, s3;
	s6 =	simm.s32 @!p1 $0x1082;
	[sflag:s4] =	ssyncset.s32 $0xFFFFF086  }
0x25: {  	[simem:s6], [sflag:s4] =	dma.local [hbm:s3], $0xF7A  }
0x26: {  	[smem:$0x3F90] =	sst s1;
	(tag) =	ssettag s2;
	_ =	strace s9  }
0x27: {  	s1 =	sld [smem:$0x3FA0]  }
0x28: {  	s2 =	sld [smem:$0x3FA1]  }
0x29: {  	s4 =	sld [smem:$0x3FA3]  }
0x2a: {  	p0 =	seq.s32 s5, $0x0;
	s5 =	sld [smem:$0x3FA4]  }
0x2b: {  	s6 =	sld [smem:$0x3FA5]  }
0x2c: {  	s7 =	sld [smem:$0x3FA6]  }
0x2d: {  	s3 =	simm.s32 $0x108;
	s8 =	sld [smem:$0x3FA7]  }
0x2e: {  	s3 =	simm.s32 @!p0 $0x1082;
	s9 =	sld [smem:$0x3FA8]  }
0x2f: {  	lr =	sadd.s32 s0, s3;
	s0 =	sld [smem:$0x3F9F]  }
0x30: {  	s3 =	sld [smem:$0x3FA2]  }
0x31: {  	[smem:$0x3FAB] =	sst s10  }
0x32: {  	s10 =	sld [smem:$0x3FA9];
	_ =	sdelay $0x3  }
0x33: {  	p0 =	seq.s32 s10, $0x1;
	s10 =	sld [smem:$0x3FAB];
	_ =	sdelay $0x3  }
0x34: {  	[smem:$0x3FAB] =	sst s10  }
0x35: {  	s10 =	sld [smem:$0x3FAA];
	_ =	sdelay $0x3  }
0x36: {  	p1 =	seq.s32 s10, $0x1;
	s10 =	sld [smem:$0x3FAB];
	_ =	sdelay $0x3  }
0x37: {  	[smem:$0x3FAB] =	sst s10  }
0x38: {  	s10 =	sld [smem:$0x3FAC]  }
0x39: {  	_ = 	snop;
	(pc) =	sbr.ind lr, $3  }
0x3a: {  	_ = 	snop  }
0x3b: {  	_ = 	snop  }
0x3c: {  	p2 =	seq.s32 s10, $0x1;
	s10 =	sld [smem:$0x3FAB]  }
0x3d: {  	_ =	shalt  }
0x3e: {  	_ =	shalt  }
0x3f: {  	_ =	shalt  }
0x40: {  	_ =	shalt  }
0x41: {  	_ =	shalt  }
0x42: {  	_ =	shalt  }
0x43: {  	_ =	shalt  }
0x44: {  	_ =	shalt  }
0x45: {  	_ =	shalt  }
0x46: {  	_ =	shalt  }
0x47: {  	_ =	shalt  }
0x48: {  	_ =	shalt  }
0x49: {  	_ =	shalt  }
0x4a: {  	_ =	shalt  }
0x4b: {  	_ =	shalt  }
0x4c: {  	_ =	shalt  }
0x4d: {  	_ =	shalt  }
0x4e: {  	_ =	shalt  }
0x4f: {  	_ =	shalt  }
0x50: {  	_ =	shalt  }
0x51: {  	_ =	shalt  }
0x52: {  	_ =	shalt  }
0x53: {  	_ =	shalt  }
0x54: {  	_ =	shalt  }
0x55: {  	_ =	shalt  }
0x56: {  	_ =	shalt  }
0x57: {  	_ =	shalt  }
0x58: {  	_ =	shalt  }
0x59: {  	_ =	shalt  }
0x5a: {  	_ =	shalt  }
0x5b: {  	_ =	shalt  }
0x5c: {  	_ =	shalt  }
0x5d: {  	_ =	shalt  }
0x5e: {  	_ =	shalt  }
0x5f: {  	_ =	shalt  }
0x60: {  	_ =	shalt  }
0x61: {  	_ =	shalt  }
0x62: {  	_ =	shalt  }
0x63: {  	_ =	shalt  }
0x64: {  	_ =	shalt  }
0x65: {  	_ =	shalt  }
0x66: {  	_ =	shalt  }
0x67: {  	_ =	shalt  }
0x68: {  	_ =	shalt  }
0x69: {  	_ =	shalt  }
0x6a: {  	_ =	shalt  }
0x6b: {  	_ =	shalt  }
0x6c: {  	_ =	shalt  }
0x6d: {  	_ =	shalt  }
0x6e: {  	_ =	shalt  }
0x6f: {  	_ =	shalt  }
0x70: {  	_ =	shalt  }
0x71: {  	_ =	shalt  }
0x72: {  	_ =	shalt  }
0x73: {  	_ =	shalt  }
0x74: {  	_ =	shalt  }
0x75: {  	_ =	shalt  }
0x76: {  	_ =	shalt  }
0x77: {  	_ =	shalt  }
0x78: {  	_ =	shalt  }
0x79: {  	_ =	shalt  }
0x7a: {  	_ =	shalt  }
0x7b: {  	_ =	shalt  }
0x7c: {  	_ =	shalt  }
0x7d: {  	_ =	shalt  }
0x7e: {  	_ =	shalt  }
0x7f: {  	_ =	shalt  }
0x80: {  	_ =	shalt  }
0x81: {  	_ =	shalt  }
0x82: {  	_ =	shalt  }
0x83: {  	_ =	shalt  }
0x84: {  	_ =	shalt  }
0x85: {  	_ =	shalt  }
0x86: {  	_ =	shalt  }
0x87: {  	_ =	shalt  }
.Lfunc_end0:
.L_simem_size_0:
called_computation_lowered:
.L_overlay_start_0:
0x88: {  	s2 =	sld [smem:$0x3FD9]  }
0x89: {  	s3 =	sld [smem:$0x3FFE];
	_ =	sdelay $0x1  }
0x8a: {  	s1 =	srdreg.scid  }
0x8b: {  	s0 =	sand.u32 $0x1, s1  }
0x8c: {  	s14 =	sshll.u32 s0, $0xA;
	s2 =	sadd.s32 s3, s2  }
0x8d: {  	s2 =	sadd.s32 s2, s14  }
0x8e: {  	[smem:$0x3FB7] =	sst s2  }
0x8f: {  	_ = 	snop  }
0x90: {  	s2 =	sld [smem:$0x3FD0];
	_ =	sdelay $0x2  }
0x91: {  	s15 =	simm.s32 $0xA;
	s4 =	simm.s32 $0x10  }
0x92: {  	[smem:s4], [sflag:s15] =	dma.local [hbm:s2], $0x1  }
0x93: {  	_ =	swait.eq [sflag:s15], $0x1  }
0x94: {  	[sflag:s15] =	ssyncset.done $0x0  }
0x95: {  	[sflag:s15] =	ssyncadd.s32 $0xFFFFFFFF  }
0x96: {  	s16 =	sld [smem:$0x11];
	(tm) =	ssettm $0x1  }
0x97: {  	s17 =	sld [smem:$0x3FFB];
	_ =	sdelay $0x3  }
0x98: {  	_ =	strace s17  }
0x99: {  	s3 =	sld [smem:$0x3FFC];
	_ =	sdelay $0x3  }
0x9a: {  	_ =	strace s3  }
0x9b: {  	s3 =	sld [smem:$0x3FFD];
	_ =	sdelay $0x3  }
0x9c: {  	_ =	strace s3  }
0x9d: {  	_ =	strace $0x8FFFFFFF  }
0x9e: {  	s18 =	sld [smem:$0x3FDB];
	_ =	sdelay $0x1  }
0x9f: {  	s19 =	simm.s32 $_scs_section_size  }
0xa0: {  	s5 =	simm.s32 $_size__tile_overlayer_lowered;
	s6 =	simm.s32 $_tile_overlayer_lowered  }
0xa1: {  	s22 =	simm.s32 $0x1BFF;
	s21 =	sshll.u32 s6, $0x1;
	s3 =	sadd.s32 s19, s18  }
0xa2: {  	s7 =	simm.s32 $0x0;
	s20 =	sshll.u32 s5, $0x1;
	s5 =	sadd.s32 s21, s3  }
0xa3: {  	[timem:s7], [sflag:s22] =	dma.local [hbm:s5], s20  }
0xa4: {  	_ =	swait.ge [sflag:s22], s20  }
0xa5: {  	s4 =	ssub.s32 $0x0, s20;
	[sflag:s22] =	ssyncset.done $0x0  }
0xa6: {  	[sflag:s22] =	ssyncadd.s32 s4;
	_ =	sdelay $0x1  }
0xa7: {  	s23 =	simm.s32 $0x1B8B  }
0xa8: {  	_ =	swait.ge [sflag:s23], $0x1  }
0xa9: {  	[sflag:s23] =	ssyncset.done $0x0  }
0xaa: {  	s25 =	simm.s32 $0x1B8E;
	s24 =	sld [smem:$0x3FFE];
	[sflag:s23] =	ssyncadd.s32 $0xFFFFFFFF  }
0xab: {  	s26 =	simm.s32 $execute0_lowered;
	[smem:$0x3FD2] =	sst s25  }
0xac: {  	s5 =	sshll.u32 s26, $0x1;
	_ =	strace $0x80000046;
	[dreg:$0x1] =	wrdreg $0xFFFFFFFF  }
0xad: {  	s28 =	simm.s32 $_size_execute0_lowered;
	s3 =	sadd.s32 s3, s5;
	[dreg:$0x0] =	wrdreg $0x0  }
0xae: {  	s5 =	sshll.u32 s28, $0x1;
	[dreg:$0x2] =	wrdreg s3  }
0xaf: {  	[dreg:$0x3] =	wrdreg s5  }
0xb0: {  	[dreg:$0x4] =	wrdreg $0xC0  }
0xb1: {  	_ =	task [dreg:s7], $0x5FFFF  }
0xb2: {  	[dreg:$0x1] =	wrdreg $0xFFFFFFFF  }
0xb3: {  	[dreg:$0x0] =	wrdreg $0x60  }
0xb4: {  	[dreg:$0x2] =	wrdreg s24  }
0xb5: {  	[dreg:$0x3] =	wrdreg s16  }
0xb6: {  	[dreg:$0x4] =	wrdreg $0x28800  }
0xb7: {  	[dreg:$0x5] =	wrdreg $0x9  }
0xb8: {  	_ =	task.clear_ibuf [dreg:s7], $0x6FFFF;
	_ =	strace $0x90000046  }
0xb9: {  	s29 =	simm.s32 $0x9;
	_ =	strace $0x80000048  }
0xba: {  	_ =	swait.ge [sflag:s29], $0x1  }
0xbb: {  	[sflag:s29] =	ssyncadd.s32 $0xFFFFFFFF  }
0xbc: {  	_ =	strace $0x90000048  }
0xbd: {  	_ =	sfence  }
0xbe: {  	s30 =	sld [smem:$0x0];
	_ =	sdelay $0x2  }
0xbf: {  	s31 =	sshll.u32 s1, $0xD;
	s1 =	sshrl.u32 s1, $0x2  }
0xc0: {  	s3 =	sand.u32 $0x4000, s31;
	s1 =	sadd.s32 s1, s30  }
0xc1: {  	s0 =	sor.u32 s3, s0;
	s1 =	sshll.u32 s1, $0x11  }
0xc2: {  	s0 =	sor.u32 s1, s0  }
0xc3: {  	s0 =	sadd.s32 $0x8F2B, s0  }
0xc4: {  	[sflag:s0] =	ssyncadd.remote.s32 $0x1  }
0xc5: {  	_ =	sfence.sel $0xFFFF  }
0xc6: {  	[dreg:$0x0] =	wrdreg $0xFFFFFFFF;
	(pc) =	sbr.abs _section_cstart, $3  }
0xc7: {  	[dreg:$0x1] =	wrdreg $0xFFFFFFFF  }
0xc8: {  	_ =	task.clear_ibuf [dreg:s7], $0x2FFFF;
	_ =	strace $0x9FFFFFFF  }
0xc9: {  	(tm) =	ssettm $0x7FFFFFFF  }
tec
execute0_lowered:
.L_overlay_start_1:
0x0: {  	(tag) =	ssettag $0x1  }
0x1: {  	s5 =	rddreg [dreg:$0x0]  }
0x2: {  	s1 =	rddreg [dreg:$0x1];
	s0 =	srdreg.scid  }
0x3: {  	s3 =	rddreg [dreg:$0x2];
	s2 =	stileid.u32  }
0x4: {  	s4 =	simm.s32 $0x0;
	s13 =	simm.s32 $0x10600;
	s14 =	simm.s32 $0x0  }
0x5: {  	s7 =	sand.u32 $0x1, s0;
	s0 =	rddreg [dreg:$0x3];
	s8 =	smul.u32 $0x280, s2  }
0x6: {  	[smem:$0x7FF] =	sst s4;
	s31 =	sshll.u32 s2, $0x6;
	s6 =	sshll.u32 s7, $0x4  }
0x7: {  	s9 =	ssub.s32 $0x2, s7;
	_ =	strace $0x80000047;
	p0 =	seq.s32 s7, $0x1  }
0x8: {  	s6 =	sor.u32 s2, s6;
	s10 =	sshrl.u32 s8, $0x3;
	s11 =	sshrl.u32 s9, $0x1  }
0x9: {  	s30 =	sadd.s32 s8, s3;
	s13 =	simm.s32 @!p0 $0x10000;
	s6 =	smul.u32 $0x500, s6  }
0xa: {  	s10 =	sadd.s32 s10, s5;
	s9 =	ssub.s32 s9, s11;
	s11 =	simm.s32 $0x1  }
0xb: {  	s8 =	smax.u32 s9, $0x1;
	s9 =	sadd.s32 s13, s10;
	s13 =	simm.s32 $0x80  }
0xc: {  	s12 =	sadd.s32 s6, s5;
	s5 =	sadd.s32 $0xFA00, s10;
	s6 =	sor.u32 $0x1C01, s31  }
0xd: {  	s10 =	sshrl.u32 s30, $0x3;
	s7 =	sadd.s32 $0x5A00, s12;
	s12 =	simm.s32 $0x2800  }
.LBB2_1:
0xe: {  	[spmem:s10], [sflag:s6] =	dma.local [hbm:s5], $0x50  }
0xf: {  	_ =	swait.ge [sflag:s11], $0x50  }
0x10: {  	[sflag:s11] =	ssyncset.done $0x0  }
0x11: {  	[sflag:s11] =	ssyncadd.s32 $0xFFFFFFB0  }
0x12: {  	[tilespmem:s12], [sflag:$0x1] =	stream.linear.gather [hbm4b:s1+s4], $0x80, $0x38;
	[tilespmem:$0x2B00] =	vst v63  }
0x13: {  	_ =	swait.ge [sflag:s11], $0x80  }
0x14: {  	[sflag:s11] =	ssyncset.done $0x0  }
0x15: {  	[sflag:s11] =	ssyncadd.s32 $0xFFFFFF80  }
0x16: {  	[tilespmem:s4], [sflag:$0x1] =	stream.linear.gather [hbm4b:s7+s4], $0x2780, $0x38;
	[tilespmem:$0x2B00] =	vst v63  }
0x17: {  	_ =	swait.ge [sflag:s11], $0x2780  }
0x18: {  	[sflag:s11] =	ssyncset.done $0x0  }
0x19: {  	[sflag:s11] =	ssyncadd.s32 $0xFFFFD880  }
0x1a: {  	s15 =	simm.s32 $0x0;
	[bflag:$0x0] =	sbarrier.arrive $0xFFFF  }
0x1b: {  	[spmem:s3] =	stream.indirect.scatter.add.f32 [tilespmem:s12], [sflag:$0x1], $0x1, s15, s13, $0xb8;
	[tilespmem:$0x2B00] =	vst v63  }
0x1c: {  	_ =	swait.ge [sflag:s11], $0x80  }
0x1d: {  	s15 =	simm.s32 $0x200;
	[sflag:s11] =	ssyncset.done $0x0  }
.LBB2_2:
0x1e: {  	s16 =	sshra.s32 s15, $0x2;
	[sflag:s11] =	ssyncadd.s32 $0xFFFFFF80;
	p0 =	sne.s32 s15, $0x9C00  }
0x1f: {  	[spmem:s3] =	stream.indirect.scatter.add.f32 [tilespmem:s12], [sflag:$0x1], $0x1, s16, s13, $0xb8;
	[tilespmem:$0x2B00] =	vst v63  }
.Ltmp0:
0x20: {  	_ = 	snop;
	(pc) =	sbr.rel @p0 .LBB2_2-.Ltmp0, $4  }
0x21: {  	_ = 	snop  }
0x22: {  	s15 =	sadd.s32 $0x200, s15  }
0x23: {  	_ =	swait.ge [sflag:s11], $0x80  }
0x24: {  	[sflag:s11] =	ssyncset.done $0x0  }
0x25: {  	s14 =	sadd.s32 $0x1, s14  }
0x26: {  	[sflag:s11] =	ssyncadd.s32 $0xFFFFFF80;
	p0 =	sne.s32 s14, s8  }
.Ltmp1:
0x27: {  	[bflag:$0x0] =	sbarrier.arrive $0xFFFF;
	(pc) =	sbr.rel @p0 .LBB2_1-.Ltmp1, $4  }
0x28: {  	[hbm:s9], [sflag:s6] =	dma.local [spmem:s10], $0x50  }
0x29: {  	_ =	swait.ge [sflag:s11], $0x50  }
0x2a: {  	[sflag:s11] =	ssyncset.done $0x0  }
0x2b: {  	[sflag:s11] =	ssyncadd.s32 $0xFFFFFFB0  }
0x2c: {  	_ =	sfence.sel $0x180000  }
0x2d: {  	[bflag:$0x0] =	sbarrier.arrive $0xFFFF  }
0x2e: {  	p0 =	sne.s32 s2, $0x0;
	_ =	strace $0x90000047  }
0x2f: {  	s0 =	sadd.s32 @!p0 $0x100000, s0;
	[bflag:$0x2] =	sbarrier.arrive $0xFFFF  }
0x30: {  	[sflag:s0] =	ssyncadd.tile.s32 @!p0 $0x1;
	_ =	shalt  }
.Lfunc_end2:
_tile_overlayer_lowered:
.L_overlay_start_2:
0x31: {  	(tag) =	ssettag $0x2  }
0x32: {  	s0 =	rddreg [dreg:$0x0];
	s2 =	stileid.u32  }
0x33: {  	s1 =	rddreg [dreg:$0x1];
	p0 =	sne.s32 s2, $0x0  }
0x34: {  	s3 =	rddreg [dreg:$0x2];
	[bflag:$0x3] =	sbarrier.arrive $0xFFFF;
	s2 =	simm.s32 @!p0 $0x1C01  }
0x35: {  	[timem:s3], [sflag:s2] =	dma.local @!p0 [hbm:s0], s1  }
0x36: {  	s0 =	simm.s32 @!p0 $0x1  }
0x37: {  	_ =	swait.ge @!p0 [sflag:s0], s1  }
0x38: {  	s1 =	ssub.s32 @!p0 $0x0, s1;
	[sflag:s0] =	ssyncset.done @!p0 $0x0  }
0x39: {  	[sflag:s0] =	ssyncadd.s32 @!p0 s1  }
0x3a: {  	[bflag:$0x3] =	sbarrier.arrive $0xFFFF  }
0x3b: {  	_ =	shalt  }

// kernel: kernel.13.cloned.1.call-start
scs
__scs_entry_jumppad:
0x0: {  	(pc) =	sbr.rel $0x88, $3  }
0x1: {  	(tag) =	ssettag $0x0;
	lr =	simm.s32 $0x1  }
0x2: {  	[smem:$0x3F90] =	sst lr;
	_ =	strace $0xD0000000  }
0x3: {  	_ = 	snop  }
0x4: {  	_ = 	snop  }
0x5: {  	_ = 	snop  }
0x6: {  	_ = 	snop  }
0x7: {  	_ = 	snop  }
__scs_overlays_trampoline_lowered:
0x8: {  	[smem:$0x3F9F] =	sst s0  }
0x9: {  	[smem:$0x3FA0] =	sst s1  }
0xa: {  	[smem:$0x3FA1] =	sst s2  }
0xb: {  	[smem:$0x3FA2] =	sst s3  }
0xc: {  	[smem:$0x3FA3] =	sst s4  }
0xd: {  	[smem:$0x3FA4] =	sst s5  }
0xe: {  	[smem:$0x3FA5] =	sst s6  }
0xf: {  	[smem:$0x3FA6] =	sst s7  }
0x10: {  	[smem:$0x3FA7] =	sst s8  }
0x11: {  	[smem:$0x3FA8] =	sst s9;
	s0 =	simm.s32 @!p0 $0x0  }
0x12: {  	s1 =	sld [smem:$0x3F8E];
	s0 =	simm.s32 @p0 $0x1  }
0x13: {  	[smem:$0x3FA9] =	sst s0;
	s0 =	simm.s32 @!p1 $0x0  }
0x14: {  	s2 =	sld [smem:$0x3F8D];
	s0 =	simm.s32 @p1 $0x1  }
0x15: {  	[smem:$0x3FAA] =	sst s0;
	s0 =	simm.s32 @!p2 $0x0  }
0x16: {  	s3 =	sld [smem:$0x3FDB];
	s0 =	simm.s32 @p2 $0x1  }
0x17: {  	s4 =	simm.s32 $0x1BF5;
	[smem:$0x3FAC] =	sst s0  }
0x18: {  	s0 =	sld [smem:$0x3F8F];
	_ =	swait.ge [sflag:s4], $0x0  }
0x19: {  	s7 =	sld [smem:$0x3F90]  }
0x1a: {  	s8 =	sadd.s32 $0xFFFFE003, lr  }
0x1b: {  	s9 =	sadd.s32 $0xFFFFFEF7, lr;
	s5 =	simm.s32 $0xFFFFFFFF;
	p2 =	slt.u32 s8, $0xFFFFF086  }
0x1c: {  	p1 =	slt.u32 s9, $0xF7A;
	s5 =	simm.s32 @!p2 $0x0  }
0x1d: {  	s5 =	simm.s32 @p1 $0x1;
	p0 =	seq.s32 s7, s2  }
0x1e: {  	s7 =	smul.u32 @!p0 $0xF7A, s2;
	p2 =	seq.s32 @!p0 s5, $0x0  }
0x1f: {  	s9 =	smul.u32 $0xF7A, s1;
	s8 =	simm.s32 @!p0 $0x1BF5;
	p2 =	por !p2, p0  }
0x20: {  	[sflag:s8] =	ssyncset.s32 @!p0 $0xFFFFF086;
	s6 =	sadd.s32 @!p0 s3, s7;
	s7 =	simm.s32 @!p0 $0x108  }
0x21: {  	s3 =	sadd.s32 s3, s9;
	s6 =	sadd.s32 @!p0 $0x88, s6;
	s7 =	simm.s32 @p2 $0x1082  }
0x22: {  	[simem:s7], [sflag:s8] =	dma.local @!p0 [hbm:s6], $0xF7A  }
0x23: {  	s9 =	sor.u32 $0xD0000000, s2;
	s6 =	simm.s32 $0x108;
	_ =	swait.ge @!p0 [sflag:s8], $0x0  }
0x24: {  	s3 =	sadd.s32 $0x88, s3;
	s6 =	simm.s32 @!p1 $0x1082;
	[sflag:s4] =	ssyncset.s32 $0xFFFFF086  }
0x25: {  	[simem:s6], [sflag:s4] =	dma.local [hbm:s3], $0xF7A  }
0x26: {  	[smem:$0x3F90] =	sst s1;
	(tag) =	ssettag s2;
	_ =	strace s9  }
0x27: {  	s1 =	sld [smem:$0x3FA0]  }
0x28: {  	s2 =	sld [smem:$0x3FA1]  }
0x29: {  	s4 =	sld [smem:$0x3FA3]  }
0x2a: {  	p0 =	seq.s32 s5, $0x0;
	s5 =	sld [smem:$0x3FA4]  }
0x2b: {  	s6 =	sld [smem:$0x3FA5]  }
0x2c: {  	s7 =	sld [smem:$0x3FA6]  }
0x2d: {  	s3 =	simm.s32 $0x108;
	s8 =	sld [smem:$0x3FA7]  }
0x2e: {  	s3 =	simm.s32 @!p0 $0x1082;
	s9 =	sld [smem:$0x3FA8]  }
0x2f: {  	lr =	sadd.s32 s0, s3;
	s0 =	sld [smem:$0x3F9F]  }
0x30: {  	s3 =	sld [smem:$0x3FA2]  }
0x31: {  	[smem:$0x3FAB] =	sst s10  }
0x32: {  	s10 =	sld [smem:$0x3FA9];
	_ =	sdelay $0x3  }
0x33: {  	p0 =	seq.s32 s10, $0x1;
	s10 =	sld [smem:$0x3FAB];
	_ =	sdelay $0x3  }
0x34: {  	[smem:$0x3FAB] =	sst s10  }
0x35: {  	s10 =	sld [smem:$0x3FAA];
	_ =	sdelay $0x3  }
0x36: {  	p1 =	seq.s32 s10, $0x1;
	s10 =	sld [smem:$0x3FAB];
	_ =	sdelay $0x3  }
0x37: {  	[smem:$0x3FAB] =	sst s10  }
0x38: {  	s10 =	sld [smem:$0x3FAC]  }
0x39: {  	_ = 	snop;
	(pc) =	sbr.ind lr, $3  }
0x3a: {  	_ = 	snop  }
0x3b: {  	_ = 	snop  }
0x3c: {  	p2 =	seq.s32 s10, $0x1;
	s10 =	sld [smem:$0x3FAB]  }
0x3d: {  	_ =	shalt  }
0x3e: {  	_ =	shalt  }
0x3f: {  	_ =	shalt  }
0x40: {  	_ =	shalt  }
0x41: {  	_ =	shalt  }
0x42: {  	_ =	shalt  }
0x43: {  	_ =	shalt  }
0x44: {  	_ =	shalt  }
0x45: {  	_ =	shalt  }
0x46: {  	_ =	shalt  }
0x47: {  	_ =	shalt  }
0x48: {  	_ =	shalt  }
0x49: {  	_ =	shalt  }
0x4a: {  	_ =	shalt  }
0x4b: {  	_ =	shalt  }
0x4c: {  	_ =	shalt  }
0x4d: {  	_ =	shalt  }
0x4e: {  	_ =	shalt  }
0x4f: {  	_ =	shalt  }
0x50: {  	_ =	shalt  }
0x51: {  	_ =	shalt  }
0x52: {  	_ =	shalt  }
0x53: {  	_ =	shalt  }
0x54: {  	_ =	shalt  }
0x55: {  	_ =	shalt  }
0x56: {  	_ =	shalt  }
0x57: {  	_ =	shalt  }
0x58: {  	_ =	shalt  }
0x59: {  	_ =	shalt  }
0x5a: {  	_ =	shalt  }
0x5b: {  	_ =	shalt  }
0x5c: {  	_ =	shalt  }
0x5d: {  	_ =	shalt  }
0x5e: {  	_ =	shalt  }
0x5f: {  	_ =	shalt  }
0x60: {  	_ =	shalt  }
0x61: {  	_ =	shalt  }
0x62: {  	_ =	shalt  }
0x63: {  	_ =	shalt  }
0x64: {  	_ =	shalt  }
0x65: {  	_ =	shalt  }
0x66: {  	_ =	shalt  }
0x67: {  	_ =	shalt  }
0x68: {  	_ =	shalt  }
0x69: {  	_ =	shalt  }
0x6a: {  	_ =	shalt  }
0x6b: {  	_ =	shalt  }
0x6c: {  	_ =	shalt  }
0x6d: {  	_ =	shalt  }
0x6e: {  	_ =	shalt  }
0x6f: {  	_ =	shalt  }
0x70: {  	_ =	shalt  }
0x71: {  	_ =	shalt  }
0x72: {  	_ =	shalt  }
0x73: {  	_ =	shalt  }
0x74: {  	_ =	shalt  }
0x75: {  	_ =	shalt  }
0x76: {  	_ =	shalt  }
0x77: {  	_ =	shalt  }
0x78: {  	_ =	shalt  }
0x79: {  	_ =	shalt  }
0x7a: {  	_ =	shalt  }
0x7b: {  	_ =	shalt  }
0x7c: {  	_ =	shalt  }
0x7d: {  	_ =	shalt  }
0x7e: {  	_ =	shalt  }
0x7f: {  	_ =	shalt  }
0x80: {  	_ =	shalt  }
0x81: {  	_ =	shalt  }
0x82: {  	_ =	shalt  }
0x83: {  	_ =	shalt  }
0x84: {  	_ =	shalt  }
0x85: {  	_ =	shalt  }
0x86: {  	_ =	shalt  }
0x87: {  	_ =	shalt  }
.Lfunc_end0:
.L_simem_size_0:
called_computation.1_lowered:
.L_overlay_start_0:
0x88: {  	s2 =	sld [smem:$0x3FD9]  }
0x89: {  	s3 =	sld [smem:$0x3FFE];
	_ =	sdelay $0x1  }
0x8a: {  	s1 =	srdreg.scid  }
0x8b: {  	s0 =	sand.u32 $0x1, s1  }
0x8c: {  	s16 =	sshll.u32 s0, $0xA;
	s2 =	sadd.s32 s3, s2  }
0x8d: {  	s2 =	sadd.s32 s2, s16  }
0x8e: {  	[smem:$0x3FB7] =	sst s2  }
0x8f: {  	_ = 	snop  }
0x90: {  	(tm) =	ssettm $0x1  }
0x91: {  	s17 =	sld [smem:$0x3FFB];
	_ =	sdelay $0x3  }
0x92: {  	_ =	strace s17  }
0x93: {  	s2 =	sld [smem:$0x3FFC];
	_ =	sdelay $0x3  }
0x94: {  	_ =	strace s2  }
0x95: {  	s2 =	sld [smem:$0x3FFD];
	_ =	sdelay $0x3  }
0x96: {  	_ =	strace s2  }
0x97: {  	_ =	strace $0x8FFFFFFF  }
0x98: {  	s18 =	sld [smem:$0x3FDB];
	_ =	sdelay $0x1  }
0x99: {  	s19 =	simm.s32 $_scs_section_size  }
0x9a: {  	s4 =	simm.s32 $_size__tile_overlayer_lowered;
	s5 =	simm.s32 $_tile_overlayer_lowered  }
0x9b: {  	s22 =	simm.s32 $0x1BFF;
	s21 =	sshll.u32 s5, $0x1;
	s2 =	sadd.s32 s19, s18  }
0x9c: {  	s6 =	simm.s32 $0x0;
	s20 =	sshll.u32 s4, $0x1;
	s4 =	sadd.s32 s21, s2  }
0x9d: {  	[timem:s6], [sflag:s22] =	dma.local [hbm:s4], s20  }
0x9e: {  	_ =	swait.ge [sflag:s22], s20  }
0x9f: {  	s3 =	ssub.s32 $0x0, s20;
	[sflag:s22] =	ssyncset.done $0x0  }
0xa0: {  	[sflag:s22] =	ssyncadd.s32 s3;
	_ =	sdelay $0x1  }
0xa1: {  	s23 =	simm.s32 $0x1B8B  }
0xa2: {  	_ =	swait.ge [sflag:s23], $0x1  }
0xa3: {  	[sflag:s23] =	ssyncset.done $0x0  }
0xa4: {  	s25 =	simm.s32 $0x1B8E;
	s24 =	sld [smem:$0x3FFE];
	[sflag:s23] =	ssyncadd.s32 $0xFFFFFFFF  }
0xa5: {  	s26 =	simm.s32 $execute0_lowered;
	[smem:$0x3FD2] =	sst s25  }
0xa6: {  	s4 =	sshll.u32 s26, $0x1;
	_ =	strace $0x80000049;
	[dreg:$0x1] =	wrdreg $0xFFFFFFFF  }
0xa7: {  	s28 =	simm.s32 $_size_execute0_lowered;
	s2 =	sadd.s32 s2, s4;
	[dreg:$0x0] =	wrdreg $0x0  }
0xa8: {  	s4 =	sshll.u32 s28, $0x1;
	[dreg:$0x2] =	wrdreg s2  }
0xa9: {  	[dreg:$0x3] =	wrdreg s4  }
0xaa: {  	[dreg:$0x4] =	wrdreg $0xC0  }
0xab: {  	_ =	task [dreg:s6], $0x5FFFF  }
0xac: {  	[dreg:$0x1] =	wrdreg $0xFFFFFFFF  }
0xad: {  	[dreg:$0x0] =	wrdreg $0x60  }
0xae: {  	[dreg:$0x2] =	wrdreg s24  }
0xaf: {  	[dreg:$0x3] =	wrdreg $0x90000  }
0xb0: {  	[dreg:$0x4] =	wrdreg $0x9  }
0xb1: {  	_ =	task.clear_ibuf [dreg:s6], $0x5FFFF;
	_ =	strace $0x90000049  }
0xb2: {  	s29 =	simm.s32 $0x9;
	_ =	strace $0x8000004B  }
0xb3: {  	_ =	swait.ge [sflag:s29], $0x1  }
0xb4: {  	[sflag:s29] =	ssyncadd.s32 $0xFFFFFFFF  }
0xb5: {  	_ =	strace $0x9000004B  }
0xb6: {  	_ =	sfence  }
0xb7: {  	s30 =	sld [smem:$0x0];
	_ =	sdelay $0x2  }
0xb8: {  	s31 =	sshll.u32 s1, $0xD;
	s1 =	sshrl.u32 s1, $0x2  }
0xb9: {  	s3 =	sand.u32 $0x4000, s31;
	s1 =	sadd.s32 s1, s30  }
0xba: {  	s0 =	sor.u32 s3, s0;
	s1 =	sshll.u32 s1, $0x11  }
0xbb: {  	s0 =	sor.u32 s1, s0  }
0xbc: {  	s0 =	sadd.s32 $0x8F2B, s0  }
0xbd: {  	[sflag:s0] =	ssyncadd.remote.s32 $0x1  }
0xbe: {  	_ =	sfence.sel $0xFFFF  }
0xbf: {  	[dreg:$0x0] =	wrdreg $0xFFFFFFFF;
	(pc) =	sbr.abs _section_cstart, $3  }
0xc0: {  	[dreg:$0x1] =	wrdreg $0xFFFFFFFF  }
0xc1: {  	_ =	task.clear_ibuf [dreg:s6], $0x2FFFF;
	_ =	strace $0x9FFFFFFF  }
0xc2: {  	(tm) =	ssettm $0x7FFFFFFF  }
0xc3: {  	_ =	shalt  }
tec
execute0_lowered:
.L_overlay_start_1:
0x0: {  	(tag) =	ssettag $0x1  }
0x1: {  	s9 =	rddreg [dreg:$0x0]  }
0x2: {  	s0 =	srdreg.scid;
	s2 =	rddreg [dreg:$0x1]  }
0x3: {  	s3 =	simm.s32 $0x0;
	s13 =	simm.s32 $0x92C00;
	s14 =	simm.s32 $0x80  }
0x4: {  	s15 =	simm.s32 $0x5000;
	s16 =	simm.s32 $0x1;
	s17 =	simm.s32 $0x0  }
0x5: {  	s5 =	sand.u32 $0x1, s0;
	s0 =	stileid.u32;
	[smem:$0x7FF] =	sst s3  }
0x6: {  	s1 =	sshll.u32 s5, $0x4;
	s6 =	smul.u32 $0x50000, s0;
	s7 =	ssub.s32 $0x2, s5  }
0x7: {  	s12 =	smul.u32 $0x2800, s0;
	s31 =	sshll.u32 s0, $0x6;
	p0 =	seq.s32 s5, $0x1  }
0x8: {  	s4 =	sor.u32 s0, s1;
	s1 =	rddreg [dreg:$0x2];
	_ =	strace $0x8000004A  }
0x9: {  	s10 =	sshrl.u32 s7, $0x1;
	s13 =	simm.s32 @!p0 $0x6AC00;
	s4 =	smul.u32 $0x500, s4  }
0xa: {  	s6 =	sshrl.u32 s6, $0x2;
	s10 =	ssub.s32 s7, s10;
	s13 =	sadd.s32 s13, s9  }
0xb: {  	s11 =	sadd.s32 s6, s2;
	s6 =	sor.u32 $0x1C02, s31;
	s8 =	sadd.s32 s4, s9  }
0xc: {  	s4 =	sadd.s32 $0xFA00, s9;
	s9 =	smax.u32 s10, $0x1;
	s10 =	sadd.s32 s13, s12  }
0xd: {  	s11 =	sshrl.u32 s11, $0x3;
	s13 =	simm.s32 $0x2800;
	s5 =	sadd.s32 s4, s12  }
0xe: {  	s7 =	sadd.s32 $0x38C00, s8;
	s8 =	sadd.s32 $0x5A00, s8;
	s12 =	simm.s32 $0x2  }
.LBB2_1:
0xf: {  	[spmem:s11], [sflag:s6] =	dma.local [hbm:s5], $0x2800  }
0x10: {  	_ =	swait.ge [sflag:s12], $0x2800  }
0x11: {  	[sflag:s12] =	ssyncset.done $0x0  }
0x12: {  	[sflag:s12] =	ssyncadd.s32 $0xFFFFD800  }
0x13: {  	[tilespmem:s3], [sflag:$0x2] =	stream.linear.gather [hbm4b:s7+s3], $0x2780, $0x38;
	[tilespmem:$0x1D000] =	vst v63  }
0x14: {  	_ =	swait.ge [sflag:s12], $0x2780  }
0x15: {  	[sflag:s12] =	ssyncset.done $0x0  }
0x16: {  	[sflag:s12] =	ssyncadd.s32 $0xFFFFD880  }
0x17: {  	[tilespmem:s13], [sflag:$0x2] =	stream.linear.gather [hbm4b:s8+s3], $0x2780, $0x38;
	[tilespmem:$0x1D000] =	vst v63  }
0x18: {  	_ =	swait.ge [sflag:s12], $0x2780  }
0x19: {  	[sflag:s12] =	ssyncset.done $0x0  }
0x1a: {  	[sflag:s12] =	ssyncadd.s32 $0xFFFFD880  }
0x1b: {  	s18 =	simm.s32 $0x0;
	[bflag:$0x0] =	sbarrier.arrive $0xFFFF  }
0x1c: {  	[tilespmem:s15], [sflag:$0x1] =	stream.indirect.gather [hbm4b:s4+s14], $0x80, s18, s14, $0xb8;
	[tilespmem:$0x1D000] =	vst v63  }
0x1d: {  	_ =	swait.ge [sflag:s16], $0x4000  }
0x1e: {  	[sflag:s16] =	ssyncset.done $0x0  }
0x1f: {  	s31 =	simm.s32 $0x2800;
	[sflag:s16] =	ssyncadd.s32 $0xFFFFC000  }
0x20: {  	[spmem:s2] =	stream.indirect.scatter.add.f32 [tilespmem:s15], [sflag:$0x2], $0x80, s31, s14, $0xb8;
	[tilespmem:$0x1D000] =	vst v63  }
0x21: {  	_ =	swait.ge [sflag:s12], $0x4000  }
0x22: {  	s19 =	simm.s32 $0x400;
	s18 =	simm.s32 $0x200;
	[sflag:s12] =	ssyncset.done $0x0  }
.LBB2_2:
0x23: {  	s20 =	sshra.s32 s18, $0x2  }
0x24: {  	[sflag:s12] =	ssyncadd.s32 $0xFFFFC000;
	s18 =	smov.u32 s19;
	s21 =	sadd.s32 $0x200, s19  }
0x25: {  	[tilespmem:s15], [sflag:$0x1] =	stream.indirect.gather [hbm4b:s4+s14], $0x80, s20, s14, $0xb8;
	[tilespmem:$0x1D000] =	vst v63  }
0x26: {  	p0 =	sne.s32 s19, $0x9C00;
	_ =	swait.ge [sflag:s16], $0x4000  }
.Ltmp0:
0x27: {  	[sflag:s16] =	ssyncset.done $0x0;
	(pc) =	sbr.rel @p0 .LBB2_2-.Ltmp0, $4  }
0x28: {  	s19 =	sadd.s32 $0x2800, s20;
	[sflag:s16] =	ssyncadd.s32 $0xFFFFC000  }
0x29: {  	[spmem:s2] =	stream.indirect.scatter.add.f32 [tilespmem:s15], [sflag:$0x2], $0x80, s19, s14, $0xb8;
	[tilespmem:$0x1D000] =	vst v63  }
0x2a: {  	_ =	swait.ge [sflag:s12], $0x4000  }
0x2b: {  	s19 =	smov.u32 s21;
	[sflag:s12] =	ssyncset.done $0x0  }
0x2c: {  	s18 =	sshra.s32 s18, $0x2;
	[sflag:s12] =	ssyncadd.s32 $0xFFFFC000  }
0x2d: {  	[tilespmem:s15], [sflag:$0x1] =	stream.indirect.gather [hbm4b:s4+s14], $0x80, s18, s14, $0xb8;
	[tilespmem:$0x1D000] =	vst v63  }
0x2e: {  	_ =	swait.ge [sflag:s16], $0x4000  }
0x2f: {  	[sflag:s16] =	ssyncset.done $0x0  }
0x30: {  	s18 =	sadd.s32 $0x2800, s18;
	[sflag:s16] =	ssyncadd.s32 $0xFFFFC000  }
0x31: {  	[spmem:s2] =	stream.indirect.scatter.add.f32 [tilespmem:s15], [sflag:$0x2], $0x80, s18, s14, $0xb8;
	[tilespmem:$0x1D000] =	vst v63  }
0x32: {  	_ =	swait.ge [sflag:s12], $0x4000  }
0x33: {  	s17 =	sadd.s32 $0x1, s17;
	[sflag:s12] =	ssyncset.done $0x0  }
0x34: {  	p0 =	sne.s32 s17, s9;
	[sflag:s12] =	ssyncadd.s32 $0xFFFFC000  }
.Ltmp1:
0x35: {  	[bflag:$0x0] =	sbarrier.arrive $0xFFFF;
	(pc) =	sbr.rel @p0 .LBB2_1-.Ltmp1, $4  }
0x36: {  	[hbm:s10], [sflag:s6] =	dma.local [spmem:s11], $0x2800  }
0x37: {  	_ =	swait.ge [sflag:s12], $0x2800  }
0x38: {  	[sflag:s12] =	ssyncset.done $0x0  }
0x39: {  	[sflag:s12] =	ssyncadd.s32 $0xFFFFD800  }
0x3a: {  	_ =	sfence.sel $0x180000  }
0x3b: {  	[bflag:$0x0] =	sbarrier.arrive $0xFFFF  }
0x3c: {  	p0 =	sne.s32 s0, $0x0;
	_ =	strace $0x9000004A  }
0x3d: {  	s0 =	sadd.s32 @!p0 $0x100000, s1;
	[bflag:$0x2] =	sbarrier.arrive $0xFFFF  }
0x3e: {  	[sflag:s0] =	ssyncadd.tile.s32 @!p0 $0x1;
	_ =	shalt  }
.Lfunc_end2:
_tile_overlayer_lowered:
.L_overlay_start_2:
0x3f: {  	(tag) =	ssettag $0x2  }
0x40: {  	s0 =	rddreg [dreg:$0x0];
	s2 =	stileid.u32  }
0x41: {  	s1 =	rddreg [dreg:$0x1];
	p0 =	sne.s32 s2, $0x0  }
0x42: {  	s3 =	rddreg [dreg:$0x2];
	[bflag:$0x3] =	sbarrier.arrive $0xFFFF;
	s2 =	simm.s32 @!p0 $0x1C02  }
0x43: {  	[timem:s3], [sflag:s2] =	dma.local @!p0 [hbm:s0], s1  }
0x44: {  	s0 =	simm.s32 @!p0 $0x2  }
0x45: {  	_ =	swait.ge @!p0 [sflag:s0], s1  }
0x46: {  	s1 =	ssub.s32 @!p0 $0x0, s1;
	[sflag:s0] =	ssyncset.done @!p0 $0x0  }
0x47: {  	[sflag:s0] =	ssyncadd.s32 @!p0 s1  }
0x48: {  	[bflag:$0x3] =	sbarrier.arrive $0xFFFF  }
0x49: {  	_ =	shalt  }

// kernel: kernel.16.cloned.1.call-start
scs
__scs_entry_jumppad:
0x0: {  	(pc) =	sbr.rel $0x88, $3  }
0x1: {  	(tag) =	ssettag $0x0;
	lr =	simm.s32 $0x1  }
0x2: {  	[smem:$0x3F90] =	sst lr;
	_ =	strace $0xD0000000  }
0x3: {  	_ = 	snop  }
0x4: {  	_ = 	snop  }
0x5: {  	_ = 	snop  }
0x6: {  	_ = 	snop  }
0x7: {  	_ = 	snop  }
__scs_overlays_trampoline_lowered:
0x8: {  	[smem:$0x3F9F] =	sst s0  }
0x9: {  	[smem:$0x3FA0] =	sst s1  }
0xa: {  	[smem:$0x3FA1] =	sst s2  }
0xb: {  	[smem:$0x3FA2] =	sst s3  }
0xc: {  	[smem:$0x3FA3] =	sst s4  }
0xd: {  	[smem:$0x3FA4] =	sst s5  }
0xe: {  	[smem:$0x3FA5] =	sst s6  }
0xf: {  	[smem:$0x3FA6] =	sst s7  }
0x10: {  	[smem:$0x3FA7] =	sst s8  }
0x11: {  	[smem:$0x3FA8] =	sst s9;
	s0 =	simm.s32 @!p0 $0x0  }
0x12: {  	s1 =	sld [smem:$0x3F8E];
	s0 =	simm.s32 @p0 $0x1  }
0x13: {  	[smem:$0x3FA9] =	sst s0;
	s0 =	simm.s32 @!p1 $0x0  }
0x14: {  	s2 =	sld [smem:$0x3F8D];
	s0 =	simm.s32 @p1 $0x1  }
0x15: {  	[smem:$0x3FAA] =	sst s0;
	s0 =	simm.s32 @!p2 $0x0  }
0x16: {  	s3 =	sld [smem:$0x3FDB];
	s0 =	simm.s32 @p2 $0x1  }
0x17: {  	s4 =	simm.s32 $0x1BF5;
	[smem:$0x3FAC] =	sst s0  }
0x18: {  	s0 =	sld [smem:$0x3F8F];
	_ =	swait.ge [sflag:s4], $0x0  }
0x19: {  	s7 =	sld [smem:$0x3F90]  }
0x1a: {  	s8 =	sadd.s32 $0xFFFFE003, lr  }
0x1b: {  	s9 =	sadd.s32 $0xFFFFFEF7, lr;
	s5 =	simm.s32 $0xFFFFFFFF;
	p2 =	slt.u32 s8, $0xFFFFF086  }
0x1c: {  	p1 =	slt.u32 s9, $0xF7A;
	s5 =	simm.s32 @!p2 $0x0  }
0x1d: {  	s5 =	simm.s32 @p1 $0x1;
	p0 =	seq.s32 s7, s2  }
0x1e: {  	s7 =	smul.u32 @!p0 $0xF7A, s2;
	p2 =	seq.s32 @!p0 s5, $0x0  }
0x1f: {  	s9 =	smul.u32 $0xF7A, s1;
	s8 =	simm.s32 @!p0 $0x1BF5;
	p2 =	por !p2, p0  }
0x20: {  	[sflag:s8] =	ssyncset.s32 @!p0 $0xFFFFF086;
	s6 =	sadd.s32 @!p0 s3, s7;
	s7 =	simm.s32 @!p0 $0x108  }
0x21: {  	s3 =	sadd.s32 s3, s9;
	s6 =	sadd.s32 @!p0 $0x88, s6;
	s7 =	simm.s32 @p2 $0x1082  }
0x22: {  	[simem:s7], [sflag:s8] =	dma.local @!p0 [hbm:s6], $0xF7A  }
0x23: {  	s9 =	sor.u32 $0xD0000000, s2;
	s6 =	simm.s32 $0x108;
	_ =	swait.ge @!p0 [sflag:s8], $0x0  }
0x24: {  	s3 =	sadd.s32 $0x88, s3;
	s6 =	simm.s32 @!p1 $0x1082;
	[sflag:s4] =	ssyncset.s32 $0xFFFFF086  }
0x25: {  	[simem:s6], [sflag:s4] =	dma.local [hbm:s3], $0xF7A  }
0x26: {  	[smem:$0x3F90] =	sst s1;
	(tag) =	ssettag s2;
	_ =	strace s9  }
0x27: {  	s1 =	sld [smem:$0x3FA0]  }
0x28: {  	s2 =	sld [smem:$0x3FA1]  }
0x29: {  	s4 =	sld [smem:$0x3FA3]  }
0x2a: {  	p0 =	seq.s32 s5, $0x0;
	s5 =	sld [smem:$0x3FA4]  }
0x2b: {  	s6 =	sld [smem:$0x3FA5]  }
0x2c: {  	s7 =	sld [smem:$0x3FA6]  }
0x2d: {  	s3 =	simm.s32 $0x108;
	s8 =	sld [smem:$0x3FA7]  }
0x2e: {  	s3 =	simm.s32 @!p0 $0x1082;
	s9 =	sld [smem:$0x3FA8]  }
0x2f: {  	lr =	sadd.s32 s0, s3;
	s0 =	sld [smem:$0x3F9F]  }
0x30: {  	s3 =	sld [smem:$0x3FA2]  }
0x31: {  	[smem:$0x3FAB] =	sst s10  }
0x32: {  	s10 =	sld [smem:$0x3FA9];
	_ =	sdelay $0x3  }
0x33: {  	p0 =	seq.s32 s10, $0x1;
	s10 =	sld [smem:$0x3FAB];
	_ =	sdelay $0x3  }
0x34: {  	[smem:$0x3FAB] =	sst s10  }
0x35: {  	s10 =	sld [smem:$0x3FAA];
	_ =	sdelay $0x3  }
0x36: {  	p1 =	seq.s32 s10, $0x1;
	s10 =	sld [smem:$0x3FAB];
	_ =	sdelay $0x3  }
0x37: {  	[smem:$0x3FAB] =	sst s10  }
0x38: {  	s10 =	sld [smem:$0x3FAC]  }
0x39: {  	_ = 	snop;
	(pc) =	sbr.ind lr, $3  }
0x3a: {  	_ = 	snop  }
0x3b: {  	_ = 	snop  }
0x3c: {  	p2 =	seq.s32 s10, $0x1;
	s10 =	sld [smem:$0x3FAB]  }
0x3d: {  	_ =	shalt  }
0x3e: {  	_ =	shalt  }
0x3f: {  	_ =	shalt  }
0x40: {  	_ =	shalt  }
0x41: {  	_ =	shalt  }
0x42: {  	_ =	shalt  }
0x43: {  	_ =	shalt  }
0x44: {  	_ =	shalt  }
0x45: {  	_ =	shalt  }
0x46: {  	_ =	shalt  }
0x47: {  	_ =	shalt  }
0x48: {  	_ =	shalt  }
0x49: {  	_ =	shalt  }
0x4a: {  	_ =	shalt  }
0x4b: {  	_ =	shalt  }
0x4c: {  	_ =	shalt  }
0x4d: {  	_ =	shalt  }
0x4e: {  	_ =	shalt  }
0x4f: {  	_ =	shalt  }
0x50: {  	_ =	shalt  }
0x51: {  	_ =	shalt  }
0x52: {  	_ =	shalt  }
0x53: {  	_ =	shalt  }
0x54: {  	_ =	shalt  }
0x55: {  	_ =	shalt  }
0x56: {  	_ =	shalt  }
0x57: {  	_ =	shalt  }
0x58: {  	_ =	shalt  }
0x59: {  	_ =	shalt  }
0x5a: {  	_ =	shalt  }
0x5b: {  	_ =	shalt  }
0x5c: {  	_ =	shalt  }
0x5d: {  	_ =	shalt  }
0x5e: {  	_ =	shalt  }
0x5f: {  	_ =	shalt  }
0x60: {  	_ =	shalt  }
0x61: {  	_ =	shalt  }
0x62: {  	_ =	shalt  }
0x63: {  	_ =	shalt  }
0x64: {  	_ =	shalt  }
0x65: {  	_ =	shalt  }
0x66: {  	_ =	shalt  }
0x67: {  	_ =	shalt  }
0x68: {  	_ =	shalt  }
0x69: {  	_ =	shalt  }
0x6a: {  	_ =	shalt  }
0x6b: {  	_ =	shalt  }
0x6c: {  	_ =	shalt  }
0x6d: {  	_ =	shalt  }
0x6e: {  	_ =	shalt  }
0x6f: {  	_ =	shalt  }
0x70: {  	_ =	shalt  }
0x71: {  	_ =	shalt  }
0x72: {  	_ =	shalt  }
0x73: {  	_ =	shalt  }
0x74: {  	_ =	shalt  }
0x75: {  	_ =	shalt  }
0x76: {  	_ =	shalt  }
0x77: {  	_ =	shalt  }
0x78: {  	_ =	shalt  }
0x79: {  	_ =	shalt  }
0x7a: {  	_ =	shalt  }
0x7b: {  	_ =	shalt  }
0x7c: {  	_ =	shalt  }
0x7d: {  	_ =	shalt  }
0x7e: {  	_ =	shalt  }
0x7f: {  	_ =	shalt  }
0x80: {  	_ =	shalt  }
0x81: {  	_ =	shalt  }
0x82: {  	_ =	shalt  }
0x83: {  	_ =	shalt  }
0x84: {  	_ =	shalt  }
0x85: {  	_ =	shalt  }
0x86: {  	_ =	shalt  }
0x87: {  	_ =	shalt  }
.Lfunc_end0:
.L_simem_size_0:
called_computation.2_lowered:
.L_overlay_start_0:
0x88: {  	s2 =	sld [smem:$0x3FD9]  }
0x89: {  	s3 =	sld [smem:$0x3FFE];
	_ =	sdelay $0x1  }
0x8a: {  	s1 =	srdreg.scid  }
0x8b: {  	s0 =	sand.u32 $0x1, s1  }
0x8c: {  	s16 =	sshll.u32 s0, $0xA;
	s2 =	sadd.s32 s3, s2  }
0x8d: {  	s2 =	sadd.s32 s2, s16  }
0x8e: {  	[smem:$0x3FB7] =	sst s2  }
0x8f: {  	_ = 	snop  }
0x90: {  	(tm) =	ssettm $0x1  }
0x91: {  	s17 =	sld [smem:$0x3FFB];
	_ =	sdelay $0x3  }
0x92: {  	_ =	strace s17  }
0x93: {  	s2 =	sld [smem:$0x3FFC];
	_ =	sdelay $0x3  }
0x94: {  	_ =	strace s2  }
0x95: {  	s2 =	sld [smem:$0x3FFD];
	_ =	sdelay $0x3  }
0x96: {  	_ =	strace s2  }
0x97: {  	_ =	strace $0x8FFFFFFF  }
0x98: {  	s18 =	sld [smem:$0x3FDB];
	_ =	sdelay $0x1  }
0x99: {  	s19 =	simm.s32 $_scs_section_size  }
0x9a: {  	s4 =	simm.s32 $_size__tile_overlayer_lowered;
	s5 =	simm.s32 $_tile_overlayer_lowered  }
0x9b: {  	s22 =	simm.s32 $0x1BFF;
	s21 =	sshll.u32 s5, $0x1;
	s2 =	sadd.s32 s19, s18  }
0x9c: {  	s6 =	simm.s32 $0x0;
	s20 =	sshll.u32 s4, $0x1;
	s4 =	sadd.s32 s21, s2  }
0x9d: {  	[timem:s6], [sflag:s22] =	dma.local [hbm:s4], s20  }
0x9e: {  	_ =	swait.ge [sflag:s22], s20  }
0x9f: {  	s3 =	ssub.s32 $0x0, s20;
	[sflag:s22] =	ssyncset.done $0x0  }
0xa0: {  	[sflag:s22] =	ssyncadd.s32 s3;
	_ =	sdelay $0x1  }
0xa1: {  	s23 =	simm.s32 $0x1B8B  }
0xa2: {  	_ =	swait.ge [sflag:s23], $0x1  }
0xa3: {  	[sflag:s23] =	ssyncset.done $0x0  }
0xa4: {  	s25 =	simm.s32 $0x1B8E;
	s24 =	sld [smem:$0x3FFE];
	[sflag:s23] =	ssyncadd.s32 $0xFFFFFFFF  }
0xa5: {  	s26 =	simm.s32 $execute0_lowered;
	[smem:$0x3FD2] =	sst s25  }
0xa6: {  	s4 =	sshll.u32 s26, $0x1;
	_ =	strace $0x8000004C;
	[dreg:$0x1] =	wrdreg $0xFFFFFFFF  }
0xa7: {  	s28 =	simm.s32 $_size_execute0_lowered;
	s2 =	sadd.s32 s2, s4;
	[dreg:$0x0] =	wrdreg $0x0  }
0xa8: {  	s4 =	sshll.u32 s28, $0x1;
	[dreg:$0x2] =	wrdreg s2  }
0xa9: {  	[dreg:$0x3] =	wrdreg s4  }
0xaa: {  	[dreg:$0x4] =	wrdreg $0xC0  }
0xab: {  	_ =	task [dreg:s6], $0x5FFFF  }
0xac: {  	[dreg:$0x1] =	wrdreg $0xFFFFFFFF  }
0xad: {  	[dreg:$0x0] =	wrdreg $0x60  }
0xae: {  	[dreg:$0x2] =	wrdreg s24  }
0xaf: {  	[dreg:$0x3] =	wrdreg $0x90000  }
0xb0: {  	[dreg:$0x4] =	wrdreg $0x9  }
0xb1: {  	_ =	task.clear_ibuf [dreg:s6], $0x5FFFF;
	_ =	strace $0x9000004C  }
0xb2: {  	s29 =	simm.s32 $0x9;
	_ =	strace $0x8000004E  }
0xb3: {  	_ =	swait.ge [sflag:s29], $0x1  }
0xb4: {  	[sflag:s29] =	ssyncadd.s32 $0xFFFFFFFF  }
0xb5: {  	_ =	strace $0x9000004E  }
0xb6: {  	_ =	sfence  }
0xb7: {  	s30 =	sld [smem:$0x0];
	_ =	sdelay $0x2  }
0xb8: {  	s31 =	sshll.u32 s1, $0xD;
	s1 =	sshrl.u32 s1, $0x2  }
0xb9: {  	s3 =	sand.u32 $0x4000, s31;
	s1 =	sadd.s32 s1, s30  }
0xba: {  	s0 =	sor.u32 s3, s0;
	s1 =	sshll.u32 s1, $0x11  }
0xbb: {  	s0 =	sor.u32 s1, s0  }
0xbc: {  	s0 =	sadd.s32 $0x8F2B, s0  }
0xbd: {  	[sflag:s0] =	ssyncadd.remote.s32 $0x1  }
0xbe: {  	_ =	sfence.sel $0xFFFF  }
0xbf: {  	[dreg:$0x0] =	wrdreg $0xFFFFFFFF;
	(pc) =	sbr.abs _section_cstart, $3  }
0xc0: {  	[dreg:$0x1] =	wrdreg $0xFFFFFFFF  }
0xc1: {  	_ =	task.clear_ibuf [dreg:s6], $0x2FFFF;
	_ =	strace $0x9FFFFFFF  }
0xc2: {  	(tm) =	ssettm $0x7FFFFFFF  }
0xc3: {  	_ =	shalt  }
tec
execute0_lowered:
.L_overlay_start_1:
0x0: {  	(tag) =	ssettag $0x1  }
0x1: {  	s9 =	rddreg [dreg:$0x0]  }
0x2: {  	s0 =	srdreg.scid;
	s2 =	rddreg [dreg:$0x1]  }
0x3: {  	s3 =	simm.s32 $0x0;
	s13 =	simm.s32 $0x92C00;
	s14 =	simm.s32 $0x80  }
0x4: {  	s15 =	simm.s32 $0x5000;
	s16 =	simm.s32 $0x1;
	s17 =	simm.s32 $0x0  }
0x5: {  	s5 =	sand.u32 $0x1, s0;
	s0 =	stileid.u32;
	[smem:$0x7FF] =	sst s3  }
0x6: {  	s1 =	sshll.u32 s5, $0x4;
	s6 =	smul.u32 $0x50000, s0;
	s7 =	ssub.s32 $0x2, s5  }
0x7: {  	s12 =	smul.u32 $0x2800, s0;
	s31 =	sshll.u32 s0, $0x6;
	p0 =	seq.s32 s5, $0x1  }
0x8: {  	s4 =	sor.u32 s0, s1;
	s1 =	rddreg [dreg:$0x2];
	_ =	strace $0x8000004D  }
0x9: {  	s10 =	sshrl.u32 s7, $0x1;
	s13 =	simm.s32 @!p0 $0x6AC00;
	s4 =	smul.u32 $0x500, s4  }
0xa: {  	s6 =	sshrl.u32 s6, $0x2;
	s10 =	ssub.s32 s7, s10;
	s13 =	sadd.s32 s13, s9  }
0xb: {  	s11 =	sadd.s32 s6, s2;
	s6 =	sor.u32 $0x1C02, s31;
	s8 =	sadd.s32 s4, s9  }
0xc: {  	s4 =	sadd.s32 $0xFA00, s9;
	s9 =	smax.u32 s10, $0x1;
	s10 =	sadd.s32 s13, s12  }
0xd: {  	s11 =	sshrl.u32 s11, $0x3;
	s13 =	simm.s32 $0x2800;
	s5 =	sadd.s32 s4, s12  }
0xe: {  	s7 =	sadd.s32 $0x38C00, s8;
	s8 =	sadd.s32 $0x5A00, s8;
	s12 =	simm.s32 $0x2  }
.LBB2_1:
0xf: {  	[spmem:s11], [sflag:s6] =	dma.local [hbm:s5], $0x2800  }
0x10: {  	_ =	swait.ge [sflag:s12], $0x2800  }
0x11: {  	[sflag:s12] =	ssyncset.done $0x0  }
0x12: {  	[sflag:s12] =	ssyncadd.s32 $0xFFFFD800  }
0x13: {  	[tilespmem:s3], [sflag:$0x2] =	stream.linear.gather [hbm4b:s7+s3], $0x2780, $0x38;
	[tilespmem:$0x1D000] =	vst v63  }
0x14: {  	_ =	swait.ge [sflag:s12], $0x2780  }
0x15: {  	[sflag:s12] =	ssyncset.done $0x0  }
0x16: {  	[sflag:s12] =	ssyncadd.s32 $0xFFFFD880  }
0x17: {  	[tilespmem:s13], [sflag:$0x2] =	stream.linear.gather [hbm4b:s8+s3], $0x2780, $0x38;
	[tilespmem:$0x1D000] =	vst v63  }
0x18: {  	_ =	swait.ge [sflag:s12], $0x2780  }
0x19: {  	[sflag:s12] =	ssyncset.done $0x0  }
0x1a: {  	[sflag:s12] =	ssyncadd.s32 $0xFFFFD880  }
0x1b: {  	s18 =	simm.s32 $0x0;
	[bflag:$0x0] =	sbarrier.arrive $0xFFFF  }
0x1c: {  	[tilespmem:s15], [sflag:$0x1] =	stream.indirect.gather [hbm4b:s4+s14], $0x80, s18, s14, $0xb8;
	[tilespmem:$0x1D000] =	vst v63  }
0x1d: {  	_ =	swait.ge [sflag:s16], $0x4000  }
0x1e: {  	[sflag:s16] =	ssyncset.done $0x0  }
0x1f: {  	s31 =	simm.s32 $0x2800;
	[sflag:s16] =	ssyncadd.s32 $0xFFFFC000  }
0x20: {  	[spmem:s2] =	stream.indirect.scatter.add.f32 [tilespmem:s15], [sflag:$0x2], $0x80, s31, s14, $0xb8;
	[tilespmem:$0x1D000] =	vst v63  }
0x21: {  	_ =	swait.ge [sflag:s12], $0x4000  }
0x22: {  	s19 =	simm.s32 $0x400;
	s18 =	simm.s32 $0x200;
	[sflag:s12] =	ssyncset.done $0x0  }
.LBB2_2:
0x23: {  	s20 =	sshra.s32 s18, $0x2  }
0x24: {  	[sflag:s12] =	ssyncadd.s32 $0xFFFFC000;
	s18 =	smov.u32 s19;
	s21 =	sadd.s32 $0x200, s19  }
0x25: {  	[tilespmem:s15], [sflag:$0x1] =	stream.indirect.gather [hbm4b:s4+s14], $0x80, s20, s14, $0xb8;
	[tilespmem:$0x1D000] =	vst v63  }
0x26: {  	p0 =	sne.s32 s19, $0x9C00;
	_ =	swait.ge [sflag:s16], $0x4000  }
.Ltmp0:
0x27: {  	[sflag:s16] =	ssyncset.done $0x0;
	(pc) =	sbr.rel @p0 .LBB2_2-.Ltmp0, $4  }
0x28: {  	s19 =	sadd.s32 $0x2800, s20;
	[sflag:s16] =	ssyncadd.s32 $0xFFFFC000  }
0x29: {  	[spmem:s2] =	stream.indirect.scatter.add.f32 [tilespmem:s15], [sflag:$0x2], $0x80, s19, s14, $0xb8;
	[tilespmem:$0x1D000] =	vst v63  }
0x2a: {  	_ =	swait.ge [sflag:s12], $0x4000  }
0x2b: {  	s19 =	smov.u32 s21;
	[sflag:s12] =	ssyncset.done $0x0  }
0x2c: {  	s18 =	sshra.s32 s18, $0x2;
	[sflag:s12] =	ssyncadd.s32 $0xFFFFC000  }
0x2d: {  	[tilespmem:s15], [sflag:$0x1] =	stream.indirect.gather [hbm4b:s4+s14], $0x80, s18, s14, $0xb8;
	[tilespmem:$0x1D000] =	vst v63  }
0x2e: {  	_ =	swait.ge [sflag:s16], $0x4000  }
0x2f: {  	[sflag:s16] =	ssyncset.done $0x0  }
0x30: {  	s18 =	sadd.s32 $0x2800, s18;
	[sflag:s16] =	ssyncadd.s32 $0xFFFFC000  }
0x31: {  	[spmem:s2] =	stream.indirect.scatter.add.f32 [tilespmem:s15], [sflag:$0x2], $0x80, s18, s14, $0xb8;
	[tilespmem:$0x1D000] =	vst v63  }
0x32: {  	_ =	swait.ge [sflag:s12], $0x4000  }
0x33: {  	s17 =	sadd.s32 $0x1, s17;
	[sflag:s12] =	ssyncset.done $0x0  }
0x34: {  	p0 =	sne.s32 s17, s9;
	[sflag:s12] =	ssyncadd.s32 $0xFFFFC000  }
.Ltmp1:
0x35: {  	[bflag:$0x0] =	sbarrier.arrive $0xFFFF;
	(pc) =	sbr.rel @p0 .LBB2_1-.Ltmp1, $4  }
0x36: {  	[hbm:s10], [sflag:s6] =	dma.local [spmem:s11], $0x2800  }
0x37: {  	_ =	swait.ge [sflag:s12], $0x2800  }
0x38: {  	[sflag:s12] =	ssyncset.done $0x0  }
0x39: {  	[sflag:s12] =	ssyncadd.s32 $0xFFFFD800  }
0x3a: {  	_ =	sfence.sel $0x180000  }
0x3b: {  	[bflag:$0x0] =	sbarrier.arrive $0xFFFF  }
0x3c: {  	p0 =	sne.s32 s0, $0x0;
	_ =	strace $0x9000004D  }
0x3d: {  	s0 =	sadd.s32 @!p0 $0x100000, s1;
	[bflag:$0x2] =	sbarrier.arrive $0xFFFF  }
0x3e: {  	[sflag:s0] =	ssyncadd.tile.s32 @!p0 $0x1;
	_ =	shalt  }
.Lfunc_end2:
_tile_overlayer_lowered:
.L_overlay_start_2:
0x3f: {  	(tag) =	ssettag $0x2  }
0x40: {  	s0 =	rddreg [dreg:$0x0];
	s2 =	stileid.u32  }
0x41: {  	s1 =	rddreg [dreg:$0x1];
	p0 =	sne.s32 s2, $0x0  }
0x42: {  	s3 =	rddreg [dreg:$0x2];
	[bflag:$0x3] =	sbarrier.arrive $0xFFFF;
	s2 =	simm.s32 @!p0 $0x1C02  }
0x43: {  	[timem:s3], [sflag:s2] =	dma.local @!p0 [hbm:s0], s1  }
0x44: {  	s0 =	simm.s32 @!p0 $0x2  }
0x45: {  	_ =	swait.ge @!p0 [sflag:s0], s1  }
0x46: {  	s1 =	ssub.s32 @!p0 $0x0, s1;
	[sflag:s0] =	ssyncset.done @!p0 $0x0  }
0x47: {  	[sflag:s0] =	ssyncadd.s32 @!p0 s1  }
0x48: {  	[bflag:$0x3] =	sbarrier.arrive $0xFFFF  }
0x49: {  	_ =	shalt  }

// kernel: kernel.19.cloned.1.call-start
scs
__scs_entry_jumppad:
0x0: {  	(pc) =	sbr.rel $0x88, $3  }
0x1: {  	(tag) =	ssettag $0x0;
	lr =	simm.s32 $0x1  }
0x2: {  	[smem:$0x3F90] =	sst lr;
	_ =	strace $0xD0000000  }
0x3: {  	_ = 	snop  }
0x4: {  	_ = 	snop  }
0x5: {  	_ = 	snop  }
0x6: {  	_ = 	snop  }
0x7: {  	_ = 	snop  }
__scs_overlays_trampoline_lowered:
0x8: {  	[smem:$0x3F9F] =	sst s0  }
0x9: {  	[smem:$0x3FA0] =	sst s1  }
0xa: {  	[smem:$0x3FA1] =	sst s2  }
0xb: {  	[smem:$0x3FA2] =	sst s3  }
0xc: {  	[smem:$0x3FA3] =	sst s4  }
0xd: {  	[smem:$0x3FA4] =	sst s5  }
0xe: {  	[smem:$0x3FA5] =	sst s6  }
0xf: {  	[smem:$0x3FA6] =	sst s7  }
0x10: {  	[smem:$0x3FA7] =	sst s8  }
0x11: {  	[smem:$0x3FA8] =	sst s9;
	s0 =	simm.s32 @!p0 $0x0  }
0x12: {  	s1 =	sld [smem:$0x3F8E];
	s0 =	simm.s32 @p0 $0x1  }
0x13: {  	[smem:$0x3FA9] =	sst s0;
	s0 =	simm.s32 @!p1 $0x0  }
0x14: {  	s2 =	sld [smem:$0x3F8D];
	s0 =	simm.s32 @p1 $0x1  }
0x15: {  	[smem:$0x3FAA] =	sst s0;
	s0 =	simm.s32 @!p2 $0x0  }
0x16: {  	s3 =	sld [smem:$0x3FDB];
	s0 =	simm.s32 @p2 $0x1  }
0x17: {  	s4 =	simm.s32 $0x1BF5;
	[smem:$0x3FAC] =	sst s0  }
0x18: {  	s0 =	sld [smem:$0x3F8F];
	_ =	swait.ge [sflag:s4], $0x0  }
0x19: {  	s7 =	sld [smem:$0x3F90]  }
0x1a: {  	s8 =	sadd.s32 $0xFFFFE003, lr  }
0x1b: {  	s9 =	sadd.s32 $0xFFFFFEF7, lr;
	s5 =	simm.s32 $0xFFFFFFFF;
	p2 =	slt.u32 s8, $0xFFFFF086  }
0x1c: {  	p1 =	slt.u32 s9, $0xF7A;
	s5 =	simm.s32 @!p2 $0x0  }
0x1d: {  	s5 =	simm.s32 @p1 $0x1;
	p0 =	seq.s32 s7, s2  }
0x1e: {  	s7 =	smul.u32 @!p0 $0xF7A, s2;
	p2 =	seq.s32 @!p0 s5, $0x0  }
0x1f: {  	s9 =	smul.u32 $0xF7A, s1;
	s8 =	simm.s32 @!p0 $0x1BF5;
	p2 =	por !p2, p0  }
0x20: {  	[sflag:s8] =	ssyncset.s32 @!p0 $0xFFFFF086;
	s6 =	sadd.s32 @!p0 s3, s7;
	s7 =	simm.s32 @!p0 $0x108  }
0x21: {  	s3 =	sadd.s32 s3, s9;
	s6 =	sadd.s32 @!p0 $0x88, s6;
	s7 =	simm.s32 @p2 $0x1082  }
0x22: {  	[simem:s7], [sflag:s8] =	dma.local @!p0 [hbm:s6], $0xF7A  }
0x23: {  	s9 =	sor.u32 $0xD0000000, s2;
	s6 =	simm.s32 $0x108;
	_ =	swait.ge @!p0 [sflag:s8], $0x0  }
0x24: {  	s3 =	sadd.s32 $0x88, s3;
	s6 =	simm.s32 @!p1 $0x1082;
	[sflag:s4] =	ssyncset.s32 $0xFFFFF086  }
0x25: {  	[simem:s6], [sflag:s4] =	dma.local [hbm:s3], $0xF7A  }
0x26: {  	[smem:$0x3F90] =	sst s1;
	(tag) =	ssettag s2;
	_ =	strace s9  }
0x27: {  	s1 =	sld [smem:$0x3FA0]  }
0x28: {  	s2 =	sld [smem:$0x3FA1]  }
0x29: {  	s4 =	sld [smem:$0x3FA3]  }
0x2a: {  	p0 =	seq.s32 s5, $0x0;
	s5 =	sld [smem:$0x3FA4]  }
0x2b: {  	s6 =	sld [smem:$0x3FA5]  }
0x2c: {  	s7 =	sld [smem:$0x3FA6]  }
0x2d: {  	s3 =	simm.s32 $0x108;
	s8 =	sld [smem:$0x3FA7]  }
0x2e: {  	s3 =	simm.s32 @!p0 $0x1082;
	s9 =	sld [smem:$0x3FA8]  }
0x2f: {  	lr =	sadd.s32 s0, s3;
	s0 =	sld [smem:$0x3F9F]  }
0x30: {  	s3 =	sld [smem:$0x3FA2]  }
0x31: {  	[smem:$0x3FAB] =	sst s10  }
0x32: {  	s10 =	sld [smem:$0x3FA9];
	_ =	sdelay $0x3  }
0x33: {  	p0 =	seq.s32 s10, $0x1;
	s10 =	sld [smem:$0x3FAB];
	_ =	sdelay $0x3  }
0x34: {  	[smem:$0x3FAB] =	sst s10  }
0x35: {  	s10 =	sld [smem:$0x3FAA];
	_ =	sdelay $0x3  }
0x36: {  	p1 =	seq.s32 s10, $0x1;
	s10 =	sld [smem:$0x3FAB];
	_ =	sdelay $0x3  }
0x37: {  	[smem:$0x3FAB] =	sst s10  }
0x38: {  	s10 =	sld [smem:$0x3FAC]  }
0x39: {  	_ = 	snop;
	(pc) =	sbr.ind lr, $3  }
0x3a: {  	_ = 	snop  }
0x3b: {  	_ = 	snop  }
0x3c: {  	p2 =	seq.s32 s10, $0x1;
	s10 =	sld [smem:$0x3FAB]  }
0x3d: {  	_ =	shalt  }
0x3e: {  	_ =	shalt  }
0x3f: {  	_ =	shalt  }
0x40: {  	_ =	shalt  }
0x41: {  	_ =	shalt  }
0x42: {  	_ =	shalt  }
0x43: {  	_ =	shalt  }
0x44: {  	_ =	shalt  }
0x45: {  	_ =	shalt  }
0x46: {  	_ =	shalt  }
0x47: {  	_ =	shalt  }
0x48: {  	_ =	shalt  }
0x49: {  	_ =	shalt  }
0x4a: {  	_ =	shalt  }
0x4b: {  	_ =	shalt  }
0x4c: {  	_ =	shalt  }
0x4d: {  	_ =	shalt  }
0x4e: {  	_ =	shalt  }
0x4f: {  	_ =	shalt  }
0x50: {  	_ =	shalt  }
0x51: {  	_ =	shalt  }
0x52: {  	_ =	shalt  }
0x53: {  	_ =	shalt  }
0x54: {  	_ =	shalt  }
0x55: {  	_ =	shalt  }
0x56: {  	_ =	shalt  }
0x57: {  	_ =	shalt  }
0x58: {  	_ =	shalt  }
0x59: {  	_ =	shalt  }
0x5a: {  	_ =	shalt  }
0x5b: {  	_ =	shalt  }
0x5c: {  	_ =	shalt  }
0x5d: {  	_ =	shalt  }
0x5e: {  	_ =	shalt  }
0x5f: {  	_ =	shalt  }
0x60: {  	_ =	shalt  }
0x61: {  	_ =	shalt  }
0x62: {  	_ =	shalt  }
0x63: {  	_ =	shalt  }
0x64: {  	_ =	shalt  }
0x65: {  	_ =	shalt  }
0x66: {  	_ =	shalt  }
0x67: {  	_ =	shalt  }
0x68: {  	_ =	shalt  }
0x69: {  	_ =	shalt  }
0x6a: {  	_ =	shalt  }
0x6b: {  	_ =	shalt  }
0x6c: {  	_ =	shalt  }
0x6d: {  	_ =	shalt  }
0x6e: {  	_ =	shalt  }
0x6f: {  	_ =	shalt  }
0x70: {  	_ =	shalt  }
0x71: {  	_ =	shalt  }
0x72: {  	_ =	shalt  }
0x73: {  	_ =	shalt  }
0x74: {  	_ =	shalt  }
0x75: {  	_ =	shalt  }
0x76: {  	_ =	shalt  }
0x77: {  	_ =	shalt  }
0x78: {  	_ =	shalt  }
0x79: {  	_ =	shalt  }
0x7a: {  	_ =	shalt  }
0x7b: {  	_ =	shalt  }
0x7c: {  	_ =	shalt  }
0x7d: {  	_ =	shalt  }
0x7e: {  	_ =	shalt  }
0x7f: {  	_ =	shalt  }
0x80: {  	_ =	shalt  }
0x81: {  	_ =	shalt  }
0x82: {  	_ =	shalt  }
0x83: {  	_ =	shalt  }
0x84: {  	_ =	shalt  }
0x85: {  	_ =	shalt  }
0x86: {  	_ =	shalt  }
0x87: {  	_ =	shalt  }
.Lfunc_end0:
.L_simem_size_0:
called_computation.3_lowered:
.L_overlay_start_0:
0x88: {  	s2 =	sld [smem:$0x3FD9]  }
0x89: {  	s3 =	sld [smem:$0x3FFE];
	_ =	sdelay $0x1  }
0x8a: {  	s1 =	srdreg.scid  }
0x8b: {  	s0 =	sand.u32 $0x1, s1  }
0x8c: {  	s16 =	sshll.u32 s0, $0xA;
	s2 =	sadd.s32 s3, s2  }
0x8d: {  	s2 =	sadd.s32 s2, s16  }
0x8e: {  	[smem:$0x3FB7] =	sst s2  }
0x8f: {  	_ = 	snop  }
0x90: {  	(tm) =	ssettm $0x1  }
0x91: {  	s17 =	sld [smem:$0x3FFB];
	_ =	sdelay $0x3  }
0x92: {  	_ =	strace s17  }
0x93: {  	s2 =	sld [smem:$0x3FFC];
	_ =	sdelay $0x3  }
0x94: {  	_ =	strace s2  }
0x95: {  	s2 =	sld [smem:$0x3FFD];
	_ =	sdelay $0x3  }
0x96: {  	_ =	strace s2  }
0x97: {  	_ =	strace $0x8FFFFFFF  }
0x98: {  	s18 =	sld [smem:$0x3FDB];
	_ =	sdelay $0x1  }
0x99: {  	s19 =	simm.s32 $_scs_section_size  }
0x9a: {  	s4 =	simm.s32 $_size__tile_overlayer_lowered;
	s5 =	simm.s32 $_tile_overlayer_lowered  }
0x9b: {  	s22 =	simm.s32 $0x1BFF;
	s21 =	sshll.u32 s5, $0x1;
	s2 =	sadd.s32 s19, s18  }
0x9c: {  	s6 =	simm.s32 $0x0;
	s20 =	sshll.u32 s4, $0x1;
	s4 =	sadd.s32 s21, s2  }
0x9d: {  	[timem:s6], [sflag:s22] =	dma.local [hbm:s4], s20  }
0x9e: {  	_ =	swait.ge [sflag:s22], s20  }
0x9f: {  	s3 =	ssub.s32 $0x0, s20;
	[sflag:s22] =	ssyncset.done $0x0  }
0xa0: {  	[sflag:s22] =	ssyncadd.s32 s3;
	_ =	sdelay $0x1  }
0xa1: {  	s23 =	simm.s32 $0x1B8B  }
0xa2: {  	_ =	swait.ge [sflag:s23], $0x1  }
0xa3: {  	[sflag:s23] =	ssyncset.done $0x0  }
0xa4: {  	s25 =	simm.s32 $0x1B8E;
	s24 =	sld [smem:$0x3FFE];
	[sflag:s23] =	ssyncadd.s32 $0xFFFFFFFF  }
0xa5: {  	s26 =	simm.s32 $execute0_lowered;
	[smem:$0x3FD2] =	sst s25  }
0xa6: {  	s4 =	sshll.u32 s26, $0x1;
	_ =	strace $0x8000004F;
	[dreg:$0x1] =	wrdreg $0xFFFFFFFF  }
0xa7: {  	s28 =	simm.s32 $_size_execute0_lowered;
	s2 =	sadd.s32 s2, s4;
	[dreg:$0x0] =	wrdreg $0x0  }
0xa8: {  	s4 =	sshll.u32 s28, $0x1;
	[dreg:$0x2] =	wrdreg s2  }
0xa9: {  	[dreg:$0x3] =	wrdreg s4  }
0xaa: {  	[dreg:$0x4] =	wrdreg $0xC0  }
0xab: {  	_ =	task [dreg:s6], $0x5FFFF  }
0xac: {  	[dreg:$0x1] =	wrdreg $0xFFFFFFFF  }
0xad: {  	[dreg:$0x0] =	wrdreg $0x60  }
0xae: {  	[dreg:$0x2] =	wrdreg s24  }
0xaf: {  	[dreg:$0x3] =	wrdreg $0x90000  }
0xb0: {  	[dreg:$0x4] =	wrdreg $0x9  }
0xb1: {  	_ =	task.clear_ibuf [dreg:s6], $0x5FFFF;
	_ =	strace $0x9000004F  }
0xb2: {  	s29 =	simm.s32 $0x9;
	_ =	strace $0x80000051  }
0xb3: {  	_ =	swait.ge [sflag:s29], $0x1  }
0xb4: {  	[sflag:s29] =	ssyncadd.s32 $0xFFFFFFFF  }
0xb5: {  	_ =	strace $0x90000051  }
0xb6: {  	_ =	sfence  }
0xb7: {  	s30 =	sld [smem:$0x0];
	_ =	sdelay $0x2  }
0xb8: {  	s31 =	sshll.u32 s1, $0xD;
	s1 =	sshrl.u32 s1, $0x2  }
0xb9: {  	s3 =	sand.u32 $0x4000, s31;
	s1 =	sadd.s32 s1, s30  }
0xba: {  	s0 =	sor.u32 s3, s0;
	s1 =	sshll.u32 s1, $0x11  }
0xbb: {  	s0 =	sor.u32 s1, s0  }
0xbc: {  	s0 =	sadd.s32 $0x8F2B, s0  }
0xbd: {  	[sflag:s0] =	ssyncadd.remote.s32 $0x1  }
0xbe: {  	_ =	sfence.sel $0xFFFF  }
0xbf: {  	[dreg:$0x0] =	wrdreg $0xFFFFFFFF;
	(pc) =	sbr.abs _section_cstart, $3  }
0xc0: {  	[dreg:$0x1] =	wrdreg $0xFFFFFFFF  }
0xc1: {  	_ =	task.clear_ibuf [dreg:s6], $0x2FFFF;
	_ =	strace $0x9FFFFFFF  }
0xc2: {  	(tm) =	ssettm $0x7FFFFFFF  }
0xc3: {  	_ =	shalt  }
tec
execute0_lowered:
.L_overlay_start_1:
0x0: {  	(tag) =	ssettag $0x1  }
0x1: {  	s9 =	rddreg [dreg:$0x0]  }
0x2: {  	s0 =	srdreg.scid;
	s2 =	rddreg [dreg:$0x1]  }
0x3: {  	s3 =	simm.s32 $0x0;
	s13 =	simm.s32 $0x92C00;
	s14 =	simm.s32 $0x80  }
0x4: {  	s15 =	simm.s32 $0x5000;
	s16 =	simm.s32 $0x1;
	s17 =	simm.s32 $0x0  }
0x5: {  	s5 =	sand.u32 $0x1, s0;
	s0 =	stileid.u32;
	[smem:$0x7FF] =	sst s3  }
0x6: {  	s1 =	sshll.u32 s5, $0x4;
	s6 =	smul.u32 $0x50000, s0;
	s7 =	ssub.s32 $0x2, s5  }
0x7: {  	s12 =	smul.u32 $0x2800, s0;
	s31 =	sshll.u32 s0, $0x6;
	p0 =	seq.s32 s5, $0x1  }
0x8: {  	s4 =	sor.u32 s0, s1;
	s1 =	rddreg [dreg:$0x2];
	_ =	strace $0x80000050  }
0x9: {  	s10 =	sshrl.u32 s7, $0x1;
	s13 =	simm.s32 @!p0 $0x6AC00;
	s4 =	smul.u32 $0x500, s4  }
0xa: {  	s6 =	sshrl.u32 s6, $0x2;
	s10 =	ssub.s32 s7, s10;
	s13 =	sadd.s32 s13, s9  }
0xb: {  	s11 =	sadd.s32 s6, s2;
	s6 =	sor.u32 $0x1C02, s31;
	s8 =	sadd.s32 s4, s9  }
0xc: {  	s4 =	sadd.s32 $0xFA00, s9;
	s9 =	smax.u32 s10, $0x1;
	s10 =	sadd.s32 s13, s12  }
0xd: {  	s11 =	sshrl.u32 s11, $0x3;
	s13 =	simm.s32 $0x2800;
	s5 =	sadd.s32 s4, s12  }
0xe: {  	s7 =	sadd.s32 $0x38C00, s8;
	s8 =	sadd.s32 $0x5A00, s8;
	s12 =	simm.s32 $0x2  }
.LBB2_1:
0xf: {  	[spmem:s11], [sflag:s6] =	dma.local [hbm:s5], $0x2800  }
0x10: {  	_ =	swait.ge [sflag:s12], $0x2800  }
0x11: {  	[sflag:s12] =	ssyncset.done $0x0  }
0x12: {  	[sflag:s12] =	ssyncadd.s32 $0xFFFFD800  }
0x13: {  	[tilespmem:s3], [sflag:$0x2] =	stream.linear.gather [hbm4b:s7+s3], $0x2780, $0x38;
	[tilespmem:$0x1D000] =	vst v63  }
0x14: {  	_ =	swait.ge [sflag:s12], $0x2780  }
0x15: {  	[sflag:s12] =	ssyncset.done $0x0  }
0x16: {  	[sflag:s12] =	ssyncadd.s32 $0xFFFFD880  }
0x17: {  	[tilespmem:s13], [sflag:$0x2] =	stream.linear.gather [hbm4b:s8+s3], $0x2780, $0x38;
	[tilespmem:$0x1D000] =	vst v63  }
0x18: {  	_ =	swait.ge [sflag:s12], $0x2780  }
0x19: {  	[sflag:s12] =	ssyncset.done $0x0  }
0x1a: {  	[sflag:s12] =	ssyncadd.s32 $0xFFFFD880  }
0x1b: {  	s18 =	simm.s32 $0x0;
	[bflag:$0x0] =	sbarrier.arrive $0xFFFF  }
0x1c: {  	[tilespmem:s15], [sflag:$0x1] =	stream.indirect.gather [hbm4b:s4+s14], $0x80, s18, s14, $0xb8;
	[tilespmem:$0x1D000] =	vst v63  }
0x1d: {  	_ =	swait.ge [sflag:s16], $0x4000  }
0x1e: {  	[sflag:s16] =	ssyncset.done $0x0  }
0x1f: {  	s31 =	simm.s32 $0x2800;
	[sflag:s16] =	ssyncadd.s32 $0xFFFFC000  }
0x20: {  	[spmem:s2] =	stream.indirect.scatter.add.f32 [tilespmem:s15], [sflag:$0x2], $0x80, s31, s14, $0xb8;
	[tilespmem:$0x1D000] =	vst v63  }
0x21: {  	_ =	swait.ge [sflag:s12], $0x4000  }
0x22: {  	s19 =	simm.s32 $0x400;
	s18 =	simm.s32 $0x200;
	[sflag:s12] =	ssyncset.done $0x0  }
.LBB2_2:
0x23: {  	s20 =	sshra.s32 s18, $0x2  }
0x24: {  	[sflag:s12] =	ssyncadd.s32 $0xFFFFC000;
	s18 =	smov.u32 s19;
	s21 =	sadd.s32 $0x200, s19  }
0x25: {  	[tilespmem:s15], [sflag:$0x1] =	stream.indirect.gather [hbm4b:s4+s14], $0x80, s20, s14, $0xb8;
	[tilespmem:$0x1D000] =	vst v63  }
0x26: {  	p0 =	sne.s32 s19, $0x9C00;
	_ =	swait.ge [sflag:s16], $0x4000  }
.Ltmp0:
0x27: {  	[sflag:s16] =	ssyncset.done $0x0;
	(pc) =	sbr.rel @p0 .LBB2_2-.Ltmp0, $4  }
0x28: {  	s19 =	sadd.s32 $0x2800, s20;
	[sflag:s16] =	ssyncadd.s32 $0xFFFFC000  }
0x29: {  	[spmem:s2] =	stream.indirect.scatter.add.f32 [tilespmem:s15], [sflag:$0x2], $0x80, s19, s14, $0xb8;
	[tilespmem:$0x1D000] =	vst v63  }
0x2a: {  	_ =	swait.ge [sflag:s12], $0x4000  }
0x2b: {  	s19 =	smov.u32 s21;
	[sflag:s12] =	ssyncset.done $0x0  }
0x2c: {  	s18 =	sshra.s32 s18, $0x2;
	[sflag:s12] =	ssyncadd.s32 $0xFFFFC000  }
0x2d: {  	[tilespmem:s15], [sflag:$0x1] =	stream.indirect.gather [hbm4b:s4+s14], $0x80, s18, s14, $0xb8;
	[tilespmem:$0x1D000] =	vst v63  }
0x2e: {  	_ =	swait.ge [sflag:s16], $0x4000  }
0x2f: {  	[sflag:s16] =	ssyncset.done $0x0  }
0x30: {  	s18 =	sadd.s32 $0x2800, s18;
	[sflag:s16] =	ssyncadd.s32 $0xFFFFC000  }
0x31: {  	[spmem:s2] =	stream.indirect.scatter.add.f32 [tilespmem:s15], [sflag:$0x2], $0x80, s18, s14, $0xb8;
	[tilespmem:$0x1D000] =	vst v63  }
0x32: {  	_ =	swait.ge [sflag:s12], $0x4000  }
0x33: {  	s17 =	sadd.s32 $0x1, s17;
	[sflag:s12] =	ssyncset.done $0x0  }
0x34: {  	p0 =	sne.s32 s17, s9;
	[sflag:s12] =	ssyncadd.s32 $0xFFFFC000  }
.Ltmp1:
0x35: {  	[bflag:$0x0] =	sbarrier.arrive $0xFFFF;
	(pc) =	sbr.rel @p0 .LBB2_1-.Ltmp1, $4  }
0x36: {  	[hbm:s10], [sflag:s6] =	dma.local [spmem:s11], $0x2800  }
0x37: {  	_ =	swait.ge [sflag:s12], $0x2800  }
0x38: {  	[sflag:s12] =	ssyncset.done $0x0  }
0x39: {  	[sflag:s12] =	ssyncadd.s32 $0xFFFFD800  }
0x3a: {  	_ =	sfence.sel $0x180000  }
0x3b: {  	[bflag:$0x0] =	sbarrier.arrive $0xFFFF  }
0x3c: {  	p0 =	sne.s32 s0, $0x0;
	_ =	strace $0x90000050  }
0x3d: {  	s0 =	sadd.s32 @!p0 $0x100000, s1;
	[bflag:$0x2] =	sbarrier.arrive $0xFFFF  }
0x3e: {  	[sflag:s0] =	ssyncadd.tile.s32 @!p0 $0x1;
	_ =	shalt  }
.Lfunc_end2:
_tile_overlayer_lowered:
.L_overlay_start_2:
0x3f: {  	(tag) =	ssettag $0x2  }
0x40: {  	s0 =	rddreg [dreg:$0x0];
	s2 =	stileid.u32  }
0x41: {  	s1 =	rddreg [dreg:$0x1];
	p0 =	sne.s32 s2, $0x0  }
0x42: {  	s3 =	rddreg [dreg:$0x2];
	[bflag:$0x3] =	sbarrier.arrive $0xFFFF;
	s2 =	simm.s32 @!p0 $0x1C02  }
0x43: {  	[timem:s3], [sflag:s2] =	dma.local @!p0 [hbm:s0], s1  }
0x44: {  	s0 =	simm.s32 @!p0 $0x2  }
0x45: {  	_ =	swait.ge @!p0 [sflag:s0], s1  }
0x46: {  	s1 =	ssub.s32 @!p0 $0x0, s1;
	[sflag:s0] =	ssyncset.done @!p0 $0x0  }
0x47: {  	[sflag:s0] =	ssyncadd.s32 @!p0 s1  }
0x48: {  	[bflag:$0x3] =	sbarrier.arrive $0xFFFF  }
0x49: {  	_ =	shalt  }

</sc_bundles>
